<compile_context>
chip_gen: v7x
topology: tpu7x:2x2x1
jax: 0.10.2.dev20260603
libtpu: 0.0.44.dev20260713+nightly
codegen_flags: <defaults>
</compile_context>

<pallas_src>
import functools

import jax
import jax.numpy as jnp
from jax import lax
from jax.experimental import pallas as pl
from jax.experimental.pallas import tpu as pltpu
from jax.experimental.pallas import tpu_sc as plsc

N1 = 5001
D = 64
L = 50
B = 256

ROW_BLK = 256
SEQ_BLK = 8


def _proj_body(emb_ref, embT_ref, Wi_ref, WiT_ref, a1_ref, a2T_ref,
               haug_ref, hmean_ref, wh1_ref, wh2r_ref):
    emb = emb_ref[...]
    h = jnp.dot(emb, Wi_ref[...], preferred_element_type=jnp.float32)
    haug_ref[...] = jnp.concatenate(
        [h, jnp.ones((N1, 1), jnp.float32)], axis=1)
    ones_r = jnp.ones((1, N1), jnp.float32)
    hmean_ref[...] = jnp.dot(ones_r, h,
                             preferred_element_type=jnp.float32) / float(N1)
    wh1_ref[...] = jnp.dot(h, a1_ref[...], preferred_element_type=jnp.float32)
    v = jnp.dot(a2T_ref[...], WiT_ref[...],
                preferred_element_type=jnp.float32)
    wh2r_ref[...] = jnp.dot(v, embT_ref[...],
                            preferred_element_type=jnp.float32)


def _run_proj(item_emb, W_item, a_item):
    emb_T = jnp.transpose(item_emb)
    Wi_T = jnp.transpose(W_item)
    a1 = a_item[:D]
    a2T = jnp.transpose(a_item[D:])
    return pl.pallas_call(
        _proj_body,
        out_shape=(
            jax.ShapeDtypeStruct((N1, D + 1), jnp.float32),
            jax.ShapeDtypeStruct((1, D), jnp.float32),
            jax.ShapeDtypeStruct((N1, 1), jnp.float32),
            jax.ShapeDtypeStruct((1, N1), jnp.float32),
        ),
    )(item_emb, emb_T, W_item, Wi_T, a1, a2T)


def _graph_body(adj_ref, wh1_ref, wh2r_ref, haug_ref, hmean_ref,
                cc_ref, cn_ref, emb_ref, t1_ref, t2_ref):
    a = adj_ref[...]
    e = wh1_ref[...] + wh2r_ref[...]
    e = jnp.maximum(e, 0.01 * e)
    ex = jnp.where(a > 0.0, jnp.exp(e), 0.0)
    haug = haug_ref[...]
    gs = jnp.dot(ex, haug, preferred_element_type=jnp.float32)
    ts = jnp.dot(a, haug, preferred_element_type=jnp.float32)
    s = gs[:, D:]
    rs = ts[:, D:]
    srecip = 1.0 / jnp.where(s > 0.0, s, 1.0)
    gat = jnp.where(s > 0.0, gs[:, :D] * srecip, hmean_ref[...])
    ti = ts[:, :D] * (1.0 / (rs + 1e-8))
    g1 = (jnp.dot(gat, cc_ref[...], preferred_element_type=jnp.float32)
          + jnp.dot(ti, cn_ref[...], preferred_element_type=jnp.float32))
    t1_ref[...] = jnp.concatenate([gat, ti], axis=1)
    t2_ref[...] = jnp.concatenate([g1, emb_ref[...]], axis=1)


def _run_graph(adj, wh1, wh2r, haug, hmean, co_center, co_neighbor, item_emb):
    grid = (pl.cdiv(N1, ROW_BLK),)
    return pl.pallas_call(
        _graph_body,
        grid=grid,
        in_specs=[
            pl.BlockSpec((ROW_BLK, N1), lambda i: (i, 0)),
            pl.BlockSpec((ROW_BLK, 1), lambda i: (i, 0)),
            pl.BlockSpec((1, N1), lambda i: (0, 0)),
            pl.BlockSpec((N1, D + 1), lambda i: (0, 0)),
            pl.BlockSpec((1, D), lambda i: (0, 0)),
            pl.BlockSpec((D, D), lambda i: (0, 0)),
            pl.BlockSpec((D, D), lambda i: (0, 0)),
            pl.BlockSpec((ROW_BLK, D), lambda i: (i, 0)),
        ],
        out_specs=(
            pl.BlockSpec((ROW_BLK, 2 * D), lambda i: (i, 0)),
            pl.BlockSpec((ROW_BLK, 2 * D), lambda i: (i, 0)),
        ),
        out_shape=(
            jax.ShapeDtypeStruct((N1, 2 * D), jnp.float32),
            jax.ShapeDtypeStruct((N1, 2 * D), jnp.float32),
        ),
    )(adj, wh1, wh2r, haug, hmean, co_center, co_neighbor, item_emb)


_NW = 32
_TOK = B * L
_PER_W = _TOK // _NW
_CHUNK = 80
_NCH = _PER_W // _CHUNK


def _gather_body(t0, t1, idx_hbm, o0, o1, idx_v, rows_v, sem):
    nc = 2
    wid = lax.axis_index("s") * nc + lax.axis_index("c")
    pltpu.sync_copy(idx_hbm.at[wid], idx_v)
    for tab, out in ((t0, o0), (t1, o1)):
        handles = [
            pltpu.async_copy(tab.at[idx_v.at[j]],
                             rows_v.at[pl.ds(j * _CHUNK, _CHUNK)], sem)
            for j in range(_NCH)
        ]
        for hd in handles:
            hd.wait()
        pltpu.sync_copy(rows_v, out.at[pl.ds(wid * _PER_W, _PER_W)])


def _run_gather(t1, t2, idx_flat):
    idx3 = idx_flat.reshape(_NW, _NCH, _CHUNK)
    mesh = plsc.VectorSubcoreMesh(core_axis_name="c", subcore_axis_name="s")
    out_t = tuple(jax.ShapeDtypeStruct((_TOK, 2 * D), jnp.float32)
                  for _ in range(2))
    fn = functools.partial(
        pl.kernel,
        mesh=mesh,
        out_type=out_t,
        scratch_types=[
            pltpu.VMEM((_NCH, _CHUNK), jnp.int32),
            pltpu.VMEM((_PER_W, 2 * D), jnp.float32),
            pltpu.SemaphoreType.DMA,
        ],
    )(_gather_body)
    return fn(t1, t2, idx3)


TOK_BLK = 512


def _seq1_body(p1_ref, p2_ref, ls_ref, pos_ref, W1_ref, W2_ref,
               seqs_ref, e1_ref, e2_ref):
    p1 = p1_ref[...]
    p2 = p2_ref[...]
    gat, tr = p1[:, :D], p1[:, D:]
    g1, se = p2[:, :D], p2[:, D:]
    coff = jax.nn.sigmoid(g1)
    seqs = coff * gat + (1.0 - coff) * tr + se
    keep = (ls_ref[...] != 0).astype(jnp.float32)
    sp = seqs + pos_ref[...] * keep
    m1 = jnp.dot(sp, W1_ref[...], preferred_element_type=jnp.float32)
    m2 = jnp.dot(sp, W2_ref[...], preferred_element_type=jnp.float32)
    seqs_ref[...] = seqs
    e1_ref[...] = jnp.exp(-m1)
    e2_ref[...] = jnp.exp(-m2)


def _run_seq1(p1g, p2g, log_seqs, pos_emb, W_1, W_2):
    ls2 = log_seqs.reshape(_TOK, 1)
    pos_t = jnp.tile(pos_emb, (B, 1))
    grid = (_TOK // TOK_BLK,)
    blk = lambda w: pl.BlockSpec((TOK_BLK, w), lambda i: (i, 0))
    full = lambda shape: pl.BlockSpec(shape, lambda i: (0, 0))
    out = jax.ShapeDtypeStruct((_TOK, D), jnp.float32)
    return pl.pallas_call(
        _seq1_body,
        grid=grid,
        in_specs=[blk(2 * D), blk(2 * D), blk(1), blk(D),
                  full((D, D)), full((D, D))],
        out_specs=(blk(D), blk(D), blk(D)),
        out_shape=(out, out, out),
    )(p1g, p2g, ls2, pos_t, W_1, W_2)


def _seq2_body(seqs_ref, e1_ref, e2f_ref, bcol_ref,
               c1w_ref, c1b_ref, c2w_ref, c2b_ref,
               upw_ref, upb_ref, gw_ref, gb_ref, dw_ref, db_ref, out_ref):
    ri = lax.broadcasted_iota(jnp.int32, (SEQ_BLK * L, L), 0)
    ci = lax.broadcasted_iota(jnp.int32, (SEQ_BLK * L, L), 1)
    causal_t = ci <= ri % L
    srow = lax.broadcasted_iota(jnp.int32, (L * D, L), 0)
    jcol = lax.broadcasted_iota(jnp.int32, (L * D, L), 1)
    btile = jnp.tile(bcol_ref[...], (L, 1))
    B3 = jnp.where(srow // D == jcol, 1.0, 0.0) * btile
    tk = lax.broadcasted_iota(jnp.int32, (D, L * D), 0)
    tc = lax.broadcasted_iota(jnp.int32, (D, L * D), 1)
    TILE = jnp.where(tc % D == tk, 1.0, 0.0)
    a2s = []
    for bi in range(SEQ_BLK):
        e1t = jnp.dot(e1_ref[bi], TILE, preferred_element_type=jnp.float32)
        e2t = jnp.broadcast_to(e2f_ref[pl.ds(bi, 1), :], (L, L * D))
        a2s.append(1.0 / (1.0 + e1t * e2t))
    a2a = jnp.concatenate(a2s, axis=0)
    sa = jnp.dot(a2a, B3, preferred_element_type=jnp.float32)
    sa = jnp.where(causal_t, sa, 0.0)
    fins = [
        jnp.dot(sa[bi * L:(bi + 1) * L], seqs_ref[bi],
                preferred_element_type=jnp.float32)
        for bi in range(SEQ_BLK)
    ]
    fin = jnp.concatenate(fins, axis=0)
    hh = jnp.maximum(
        jnp.dot(fin, c1w_ref[...], preferred_element_type=jnp.float32)
        + c1b_ref[...], 0.0)
    hh = jnp.dot(hh, c2w_ref[...], preferred_element_type=jnp.float32) \
        + c2b_ref[...]
    fin = fin + hh
    y_up = jnp.dot(fin, upw_ref[...], preferred_element_type=jnp.float32) \
        + upb_ref[...]
    gate = jnp.maximum(
        jnp.dot(fin, gw_ref[...], preferred_element_type=jnp.float32)
        + gb_ref[...], 0.0)
    dn = jnp.maximum(
        jnp.dot(gate * y_up, dw_ref[...], preferred_element_type=jnp.float32)
        + db_ref[...], 0.0)
    out_ref[...] = (fin + dn).reshape(SEQ_BLK, L, D)


def _run_seq2(seqs, e1, e2, b, conv1_w, conv1_b, conv2_w, conv2_b,
              up_w, up_b, gate_w, gate_b, down_w, down_b):
    seqs3 = seqs.reshape(B, L, D)
    e13 = e1.reshape(B, L, D)
    e2f = e2.reshape(B, L * D)
    r1 = lambda x: x.reshape(1, -1)
    grid = (B // SEQ_BLK,)
    tok = pl.BlockSpec((SEQ_BLK, L, D), lambda i: (i, 0, 0))
    full = lambda shape: pl.BlockSpec(shape, lambda i: tuple(0 for _ in shape))
    return pl.pallas_call(
        _seq2_body,
        grid=grid,
        in_specs=[
            tok, tok,
            pl.BlockSpec((SEQ_BLK, L * D), lambda i: (i, 0)),
            full((D, 1)),
            full((D, D)), full((1, D)), full((D, D)), full((1, D)),
            full((D, 2 * D)), full((1, 2 * D)),
            full((D, 2 * D)), full((1, 2 * D)),
            full((2 * D, D)), full((1, D)),
        ],
        out_specs=pl.BlockSpec((SEQ_BLK, L, D), lambda i: (i, 0, 0)),
        out_shape=jax.ShapeDtypeStruct((B, L, D), jnp.float32),
    )(seqs3, e13, e2f, b,
      conv1_w, r1(conv1_b), conv2_w, r1(conv2_b),
      up_w, r1(up_b), gate_w, r1(gate_b), down_w, r1(down_b))


def kernel(log_seqs, item_emb, pos_emb, W_item, a_item, W_1, W_2, b,
           co_center, co_neighbor, conv1_w, conv1_b, conv2_w, conv2_b,
           up_w, up_b, gate_w, gate_b, down_w, down_b, adj):
    log_seqs = log_seqs.astype(jnp.int32)
    haug, hmean, wh1, wh2r = _run_proj(item_emb, W_item, a_item)
    tab1, tab2 = _run_graph(adj, wh1, wh2r, haug, hmean, co_center,
                            co_neighbor, item_emb)
    idx_flat = log_seqs.reshape(-1)
    g1g, g2g = _run_gather(tab1, tab2, idx_flat)
    seqs, e1, e2 = _run_seq1(g1g, g2g, log_seqs, pos_emb, W_1, W_2)
    return _run_seq2(seqs, e1, e2, b, conv1_w, conv1_b, conv2_w, conv2_b,
                     up_w, up_b, gate_w, gate_b, down_w, down_b)

# --- scband reference (transcript-rebuilt; emitter-appended) ---
"""Pipeline reference for scband-fgcl4-rec-27693949125370 (READ-ONLY COPY).

The authoritative reference and input builder live on the scoring server;
editing this copy changes nothing except your own understanding.
"""

import jax, jax.numpy as jnp
import numpy as np

N_ITEMS = 5000
D = 64
L = 50
B = 256


def setup_inputs(seed: int = 0):
    key = jax.random.key(seed)
    ks = jax.random.split(key, 20)

    def p(k, shape, s=0.05):
        return jax.random.normal(k, shape, dtype=jnp.float32) * s

    item_emb = p(ks[0], (N_ITEMS + 1, D), 0.02).at[0].set(0.0)  # padding_idx=0
    pos_emb = p(ks[1], (L, D), 0.02)
    W_item = p(ks[2], (D, D))
    a_item = p(ks[3], (2 * D, 1))
    W_1 = p(ks[4], (D, D))
    W_2 = p(ks[5], (D, D))
    b = p(ks[6], (D, 1))
    co_center = p(ks[7], (D, D))
    co_neighbor = p(ks[8], (D, D))
    conv1_w = p(ks[9], (D, D))
    conv1_b = jnp.zeros((D,), dtype=jnp.float32)
    conv2_w = p(ks[10], (D, D))
    conv2_b = jnp.zeros((D,), dtype=jnp.float32)
    up_w = p(ks[11], (D, 2 * D))
    up_b = jnp.zeros((2 * D,), dtype=jnp.float32)
    gate_w = p(ks[12], (D, 2 * D))
    gate_b = jnp.zeros((2 * D,), dtype=jnp.float32)
    down_w = p(ks[13], (2 * D, D))
    down_b = jnp.zeros((D,), dtype=jnp.float32)
    # dense item-item adjacency (item_matrix.T in the torch module), ~0.5% density
    m = jax.random.uniform(ks[14], (N_ITEMS + 1, N_ITEMS + 1)) < 0.005
    v = jax.random.uniform(ks[15], (N_ITEMS + 1, N_ITEMS + 1))
    adj = jnp.where(m, v, 0.0).astype(jnp.float32)
    log_seqs = jax.random.randint(ks[16], (B, L), 0, N_ITEMS + 1)
    return {
        "log_seqs": log_seqs,
        "item_emb": item_emb, "pos_emb": pos_emb,
        "W_item": W_item, "a_item": a_item,
        "W_1": W_1, "W_2": W_2, "b": b,
        "co_center": co_center, "co_neighbor": co_neighbor,
        "conv1_w": conv1_w, "conv1_b": conv1_b,
        "conv2_w": conv2_w, "conv2_b": conv2_b,
        "up_w": up_w, "up_b": up_b,
        "gate_w": gate_w, "gate_b": gate_b,
        "down_w": down_w, "down_b": down_b,
        "adj": adj,
    }


def reference(log_seqs, item_emb, pos_emb, W_item, a_item, W_1, W_2, b,
              co_center, co_neighbor, conv1_w, conv1_b, conv2_w, conv2_b,
              up_w, up_b, gate_w, gate_b, down_w, down_b, adj):
    d = item_emb.shape[1]
    # ---- update(): GAT view + transition view over the item-item graph ----
    h_item = item_emb @ W_item                       # [N+1, d]
    wh1 = h_item @ a_item[:d]                        # [N+1, 1]
    wh2 = h_item @ a_item[d:]                        # [N+1, 1]
    e = jax.nn.leaky_relu(wh1 + wh2.T, 0.01)         # [N+1, N+1]
    e = jnp.where(adj > 0, e, -1e9)
    attn = jax.nn.softmax(e, axis=1)
    gat_info = attn @ h_item                         # [N+1, d]
    trans = adj / (jnp.sum(adj, axis=1, keepdims=True) + 1e-8)
    trans_info = trans @ h_item                      # [N+1, d]
    # ---- log2feats() (eval mode: dropout disabled) ----
    gat_neighbor = gat_info[log_seqs]                # [B, L, d]
    trans_neighbor = trans_info[log_seqs]
    seqs_self = item_emb[log_seqs]
    coff = jax.nn.sigmoid(gat_neighbor @ co_center + trans_neighbor @ co_neighbor)
    seqs = coff * gat_neighbor + (1.0 - coff) * trans_neighbor + seqs_self
    Bsz, Ls = log_seqs.shape
    pos = pos_emb[None, :Ls, :]
    timeline_mask = (log_seqs == 0)
    pos = pos * (~timeline_mask)[..., None]
    seqs_pos = seqs + pos
    M1 = seqs_pos @ W_1
    M2 = seqs_pos @ W_2
    attn_score = jax.nn.sigmoid(M1[:, :, None, :] + M2[:, None, :, :])  # [B,L,L,d]
    attn_score = jnp.squeeze(attn_score @ b, -1)                        # [B,L,L]
    causal = jnp.tril(jnp.ones((Ls, Ls), dtype=jnp.float32))[None]
    attn_score = jnp.where(causal == 0, 0.0, attn_score)
    final = attn_score @ seqs                                           # [B,L,d]
    # PointWiseFeedForward (residual)
    h = jnp.maximum(final @ conv1_w + conv1_b, 0.0)
    h = h @ conv2_w + conv2_b
    final = final + h
    # UpDown (residual)
    y_up = final @ up_w + up_b
    gate = jnp.maximum(final @ gate_w + gate_b, 0.0)
    final = final + jnp.maximum((gate * y_up) @ down_w + down_b, 0.0)
    return final


if False:  # reference __main__ guard neutralized (emitter)
    out = reference(**setup_inputs())
    print(out.shape)

if __name__ == "__main__":
    import jax
    _d = setup_inputs()
    print(jax.jit(kernel)(*tuple(_d.values())))

</pallas_src>

<mosaic_0001>
#map = affine_map<(d0, d1) -> (0, 0)>
#map1 = affine_map<(d0, d1) -> (0, 0, 0)>
module attributes {stable_mosaic.version = 14 : i64} {
  func.func @_gather_body(%arg0: i32, %arg1: i32, %arg2: memref<5001x128xf32, #tpu.memory_space<hbm>>, %arg3: memref<5001x128xf32, #tpu.memory_space<hbm>>, %arg4: memref<32x5x80xi32, #tpu.memory_space<hbm>>, %arg5: memref<12800x128xf32, #tpu.memory_space<hbm>>, %arg6: memref<12800x128xf32, #tpu.memory_space<hbm>>, %arg7: memref<5x80xi32, #tpu.memory_space<vmem>>, %arg8: memref<400x128xf32, #tpu.memory_space<vmem>>, %arg9: memref<!tpu.dma_semaphore, #tpu.memory_space<semaphore_mem>>) attributes {dimension_semantics = [#tpu.dimension_semantics<core_parallel>, #tpu.dimension_semantics<subcore_parallel>], iteration_bounds = array<i64: 2, 16>, scalar_prefetch = 0 : i64, scratch_operands = 3 : i64, tpu.core_type = #tpu.core_type<sc_vector_subcore>, window_params = [{transform_indices = #map}, {transform_indices = #map}, {transform_indices = #map1}, {transform_indices = #map}, {transform_indices = #map}]} {
    %mul3A = arith.constant 2 : i32
    %mul3A_0 = arith.muli %arg1, %mul3A : i32
    %add3A = arith.addi %mul3A_0, %arg0 : i32
    "tpu.region"() ({
      %run_scoped3A = tpu.sem_alloc : memref<!tpu.dma_semaphore, #tpu.memory_space<semaphore_mem>>
      %dma_start3A_203 = arith.constant 0 : i32
      %dma_start3A_204 = arith.constant 0 : i32
      %dma_start3A_205 = tpu.memref_slice %arg4[%add3A, %dma_start3A_203, %dma_start3A_204] : memref<32x5x80xi32, #tpu.memory_space<hbm>> -> memref<1x5x80xi32, #tpu.memory_space<hbm>>
      %dma_start3A_206 = tpu.memref_squeeze %dma_start3A_205 : memref<1x5x80xi32, #tpu.memory_space<hbm>> -> memref<5x80xi32, #tpu.memory_space<hbm>>
      %dma_start3A_207 = arith.constant 0 : i32
      %dma_start3A_208 = arith.constant 0 : i32
      %dma_start3A_209 = tpu.memref_slice %arg4[%add3A, %dma_start3A_207, %dma_start3A_208] : memref<32x5x80xi32, #tpu.memory_space<hbm>> -> memref<1x5x80xi32, #tpu.memory_space<hbm>>
      %dma_start3A_210 = tpu.memref_squeeze %dma_start3A_209 : memref<1x5x80xi32, #tpu.memory_space<hbm>> -> memref<5x80xi32, #tpu.memory_space<hbm>>
      tpu.enqueue_dma source(%dma_start3A_210 : memref<5x80xi32, #tpu.memory_space<hbm>>) target(%arg7 : memref<5x80xi32, #tpu.memory_space<vmem>>) target_semaphore(%run_scoped3A : memref<!tpu.dma_semaphore, #tpu.memory_space<semaphore_mem>>)
      %dma_wait3A_211 = arith.constant 0 : i32
      %dma_wait3A_212 = arith.constant 0 : i32
      %dma_wait3A_213 = tpu.memref_slice %arg4[%add3A, %dma_wait3A_211, %dma_wait3A_212] : memref<32x5x80xi32, #tpu.memory_space<hbm>> -> memref<1x5x80xi32, #tpu.memory_space<hbm>>
      %dma_wait3A_214 = tpu.memref_squeeze %dma_wait3A_213 : memref<1x5x80xi32, #tpu.memory_space<hbm>> -> memref<5x80xi32, #tpu.memory_space<hbm>>
      %dma_wait3A_215 = arith.constant 0 : i32
      %dma_wait3A_216 = arith.constant 0 : i32
      %dma_wait3A_217 = tpu.memref_slice %arg4[%add3A, %dma_wait3A_215, %dma_wait3A_216] : memref<32x5x80xi32, #tpu.memory_space<hbm>> -> memref<1x5x80xi32, #tpu.memory_space<hbm>>
      %dma_wait3A_218 = tpu.memref_squeeze %dma_wait3A_217 : memref<1x5x80xi32, #tpu.memory_space<hbm>> -> memref<5x80xi32, #tpu.memory_space<hbm>>
      tpu.wait_dma2 semaphore(%run_scoped3A : memref<!tpu.dma_semaphore, #tpu.memory_space<semaphore_mem>>) src(%dma_wait3A_218 : memref<5x80xi32, #tpu.memory_space<hbm>>) dst(%arg7 : memref<5x80xi32, #tpu.memory_space<vmem>>)
      tpu.yield
    }) : () -> ()
    %dma_start3A = arith.constant 0 : i32
    %dma_start3A_1 = arith.constant 0 : i32
    %dma_start3A_2 = arith.constant 0 : i32
    %dma_start3A_3 = tpu.memref_slice %arg8[%dma_start3A_1, %dma_start3A_2] : memref<400x128xf32, #tpu.memory_space<vmem>> -> memref<80x128xf32, #tpu.memory_space<vmem>>
    %dma_start3A_4 = arith.constant 0 : i32
    %dma_start3A_5 = tpu.memref_slice %arg7[%dma_start3A, %dma_start3A_4] : memref<5x80xi32, #tpu.memory_space<vmem>> -> memref<1x80xi32, #tpu.memory_space<vmem>>
    %dma_start3A_6 = tpu.memref_squeeze %dma_start3A_5 : memref<1x80xi32, #tpu.memory_space<vmem>> -> memref<80xi32, #tpu.memory_space<vmem>>
    %dma_start3A_7 = arith.constant 0 : i32
    %dma_start3A_8 = arith.constant 0 : i32
    %dma_start3A_9 = tpu.memref_slice %arg2[%dma_start3A_7, %dma_start3A_8] : memref<5001x128xf32, #tpu.memory_space<hbm>> -> memref<5001x128xf32, #tpu.memory_space<hbm>>
    tpu.enqueue_indirect_dma source(%dma_start3A_9 : memref<5001x128xf32, #tpu.memory_space<hbm>>) target(%dma_start3A_3 : memref<80x128xf32, #tpu.memory_space<vmem>>) offsets(%dma_start3A_6 : memref<80xi32, #tpu.memory_space<vmem>>) semaphore(%arg9 : memref<!tpu.dma_semaphore, #tpu.memory_space<semaphore_mem>>)
    %dma_start3A_10 = arith.constant 1 : i32
    %dma_start3A_11 = arith.constant 80 : i32
    %dma_start3A_12 = arith.constant 0 : i32
    %dma_start3A_13 = tpu.memref_slice %arg8[%dma_start3A_11, %dma_start3A_12] : memref<400x128xf32, #tpu.memory_space<vmem>> -> memref<80x128xf32, #tpu.memory_space<vmem>>
    %dma_start3A_14 = arith.constant 0 : i32
    %dma_start3A_15 = tpu.memref_slice %arg7[%dma_start3A_10, %dma_start3A_14] : memref<5x80xi32, #tpu.memory_space<vmem>> -> memref<1x80xi32, #tpu.memory_space<vmem>>
    %dma_start3A_16 = tpu.memref_squeeze %dma_start3A_15 : memref<1x80xi32, #tpu.memory_space<vmem>> -> memref<80xi32, #tpu.memory_space<vmem>>
    %dma_start3A_17 = arith.constant 0 : i32
    %dma_start3A_18 = arith.constant 0 : i32
    %dma_start3A_19 = tpu.memref_slice %arg2[%dma_start3A_17, %dma_start3A_18] : memref<5001x128xf32, #tpu.memory_space<hbm>> -> memref<5001x128xf32, #tpu.memory_space<hbm>>
    tpu.enqueue_indirect_dma source(%dma_start3A_19 : memref<5001x128xf32, #tpu.memory_space<hbm>>) target(%dma_start3A_13 : memref<80x128xf32, #tpu.memory_space<vmem>>) offsets(%dma_start3A_16 : memref<80xi32, #tpu.memory_space<vmem>>) semaphore(%arg9 : memref<!tpu.dma_semaphore, #tpu.memory_space<semaphore_mem>>)
    %dma_start3A_20 = arith.constant 2 : i32
    %dma_start3A_21 = arith.constant 160 : i32
    %dma_start3A_22 = arith.constant 0 : i32
    %dma_start3A_23 = tpu.memref_slice %arg8[%dma_start3A_21, %dma_start3A_22] : memref<400x128xf32, #tpu.memory_space<vmem>> -> memref<80x128xf32, #tpu.memory_space<vmem>>
    %dma_start3A_24 = arith.constant 0 : i32
    %dma_start3A_25 = tpu.memref_slice %arg7[%dma_start3A_20, %dma_start3A_24] : memref<5x80xi32, #tpu.memory_space<vmem>> -> memref<1x80xi32, #tpu.memory_space<vmem>>
    %dma_start3A_26 = tpu.memref_squeeze %dma_start3A_25 : memref<1x80xi32, #tpu.memory_space<vmem>> -> memref<80xi32, #tpu.memory_space<vmem>>
    %dma_start3A_27 = arith.constant 0 : i32
    %dma_start3A_28 = arith.constant 0 : i32
    %dma_start3A_29 = tpu.memref_slice %arg2[%dma_start3A_27, %dma_start3A_28] : memref<5001x128xf32, #tpu.memory_space<hbm>> -> memref<5001x128xf32, #tpu.memory_space<hbm>>
    tpu.enqueue_indirect_dma source(%dma_start3A_29 : memref<5001x128xf32, #tpu.memory_space<hbm>>) target(%dma_start3A_23 : memref<80x128xf32, #tpu.memory_space<vmem>>) offsets(%dma_start3A_26 : memref<80xi32, #tpu.memory_space<vmem>>) semaphore(%arg9 : memref<!tpu.dma_semaphore, #tpu.memory_space<semaphore_mem>>)
    %dma_start3A_30 = arith.constant 3 : i32
    %dma_start3A_31 = arith.constant 240 : i32
    %dma_start3A_32 = arith.constant 0 : i32
    %dma_start3A_33 = tpu.memref_slice %arg8[%dma_start3A_31, %dma_start3A_32] : memref<400x128xf32, #tpu.memory_space<vmem>> -> memref<80x128xf32, #tpu.memory_space<vmem>>
    %dma_start3A_34 = arith.constant 0 : i32
    %dma_start3A_35 = tpu.memref_slice %arg7[%dma_start3A_30, %dma_start3A_34] : memref<5x80xi32, #tpu.memory_space<vmem>> -> memref<1x80xi32, #tpu.memory_space<vmem>>
    %dma_start3A_36 = tpu.memref_squeeze %dma_start3A_35 : memref<1x80xi32, #tpu.memory_space<vmem>> -> memref<80xi32, #tpu.memory_space<vmem>>
    %dma_start3A_37 = arith.constant 0 : i32
    %dma_start3A_38 = arith.constant 0 : i32
    %dma_start3A_39 = tpu.memref_slice %arg2[%dma_start3A_37, %dma_start3A_38] : memref<5001x128xf32, #tpu.memory_space<hbm>> -> memref<5001x128xf32, #tpu.memory_space<hbm>>
    tpu.enqueue_indirect_dma source(%dma_start3A_39 : memref<5001x128xf32, #tpu.memory_space<hbm>>) target(%dma_start3A_33 : memref<80x128xf32, #tpu.memory_space<vmem>>) offsets(%dma_start3A_36 : memref<80xi32, #tpu.memory_space<vmem>>) semaphore(%arg9 : memref<!tpu.dma_semaphore, #tpu.memory_space<semaphore_mem>>)
    %dma_start3A_40 = arith.constant 4 : i32
    %dma_start3A_41 = arith.constant 320 : i32
    %dma_start3A_42 = arith.constant 0 : i32
    %dma_start3A_43 = tpu.memref_slice %arg8[%dma_start3A_41, %dma_start3A_42] : memref<400x128xf32, #tpu.memory_space<vmem>> -> memref<80x128xf32, #tpu.memory_space<vmem>>
    %dma_start3A_44 = arith.constant 0 : i32
    %dma_start3A_45 = tpu.memref_slice %arg7[%dma_start3A_40, %dma_start3A_44] : memref<5x80xi32, #tpu.memory_space<vmem>> -> memref<1x80xi32, #tpu.memory_space<vmem>>
    %dma_start3A_46 = tpu.memref_squeeze %dma_start3A_45 : memref<1x80xi32, #tpu.memory_space<vmem>> -> memref<80xi32, #tpu.memory_space<vmem>>
    %dma_start3A_47 = arith.constant 0 : i32
    %dma_start3A_48 = arith.constant 0 : i32
    %dma_start3A_49 = tpu.memref_slice %arg2[%dma_start3A_47, %dma_start3A_48] : memref<5001x128xf32, #tpu.memory_space<hbm>> -> memref<5001x128xf32, #tpu.memory_space<hbm>>
    tpu.enqueue_indirect_dma source(%dma_start3A_49 : memref<5001x128xf32, #tpu.memory_space<hbm>>) target(%dma_start3A_43 : memref<80x128xf32, #tpu.memory_space<vmem>>) offsets(%dma_start3A_46 : memref<80xi32, #tpu.memory_space<vmem>>) semaphore(%arg9 : memref<!tpu.dma_semaphore, #tpu.memory_space<semaphore_mem>>)
    %dma_wait3A = arith.constant 0 : i32
    %dma_wait3A_50 = arith.constant 0 : i32
    %dma_wait3A_51 = arith.constant 0 : i32
    %dma_wait3A_52 = tpu.memref_slice %arg8[%dma_wait3A_50, %dma_wait3A_51] : memref<400x128xf32, #tpu.memory_space<vmem>> -> memref<80x128xf32, #tpu.memory_space<vmem>>
    %dma_wait3A_53 = arith.constant 0 : i32
    %dma_wait3A_54 = tpu.memref_slice %arg7[%dma_wait3A, %dma_wait3A_53] : memref<5x80xi32, #tpu.memory_space<vmem>> -> memref<1x80xi32, #tpu.memory_space<vmem>>
    %dma_wait3A_55 = tpu.memref_squeeze %dma_wait3A_54 : memref<1x80xi32, #tpu.memory_space<vmem>> -> memref<80xi32, #tpu.memory_space<vmem>>
    %dma_wait3A_56 = arith.constant 0 : i32
    %dma_wait3A_57 = arith.constant 0 : i32
    %dma_wait3A_58 = tpu.memref_slice %arg2[%dma_wait3A_56, %dma_wait3A_57] : memref<5001x128xf32, #tpu.memory_space<hbm>> -> memref<5001x128xf32, #tpu.memory_space<hbm>>
    tpu.wait_indirect_dma semaphore(%arg9 : memref<!tpu.dma_semaphore, #tpu.memory_space<semaphore_mem>>) src(%dma_wait3A_58 : memref<5001x128xf32, #tpu.memory_space<hbm>>) dst(%dma_wait3A_52 : memref<80x128xf32, #tpu.memory_space<vmem>>)
    %dma_wait3A_59 = arith.constant 1 : i32
    %dma_wait3A_60 = arith.constant 80 : i32
    %dma_wait3A_61 = arith.constant 0 : i32
    %dma_wait3A_62 = tpu.memref_slice %arg8[%dma_wait3A_60, %dma_wait3A_61] : memref<400x128xf32, #tpu.memory_space<vmem>> -> memref<80x128xf32, #tpu.memory_space<vmem>>
    %dma_wait3A_63 = arith.constant 0 : i32
    %dma_wait3A_64 = tpu.memref_slice %arg7[%dma_wait3A_59, %dma_wait3A_63] : memref<5x80xi32, #tpu.memory_space<vmem>> -> memref<1x80xi32, #tpu.memory_space<vmem>>
    %dma_wait3A_65 = tpu.memref_squeeze %dma_wait3A_64 : memref<1x80xi32, #tpu.memory_space<vmem>> -> memref<80xi32, #tpu.memory_space<vmem>>
    %dma_wait3A_66 = arith.constant 0 : i32
    %dma_wait3A_67 = arith.constant 0 : i32
    %dma_wait3A_68 = tpu.memref_slice %arg2[%dma_wait3A_66, %dma_wait3A_67] : memref<5001x128xf32, #tpu.memory_space<hbm>> -> memref<5001x128xf32, #tpu.memory_space<hbm>>
    tpu.wait_indirect_dma semaphore(%arg9 : memref<!tpu.dma_semaphore, #tpu.memory_space<semaphore_mem>>) src(%dma_wait3A_68 : memref<5001x128xf32, #tpu.memory_space<hbm>>) dst(%dma_wait3A_62 : memref<80x128xf32, #tpu.memory_space<vmem>>)
    %dma_wait3A_69 = arith.constant 2 : i32
    %dma_wait3A_70 = arith.constant 160 : i32
    %dma_wait3A_71 = arith.constant 0 : i32
    %dma_wait3A_72 = tpu.memref_slice %arg8[%dma_wait3A_70, %dma_wait3A_71] : memref<400x128xf32, #tpu.memory_space<vmem>> -> memref<80x128xf32, #tpu.memory_space<vmem>>
    %dma_wait3A_73 = arith.constant 0 : i32
    %dma_wait3A_74 = tpu.memref_slice %arg7[%dma_wait3A_69, %dma_wait3A_73] : memref<5x80xi32, #tpu.memory_space<vmem>> -> memref<1x80xi32, #tpu.memory_space<vmem>>
    %dma_wait3A_75 = tpu.memref_squeeze %dma_wait3A_74 : memref<1x80xi32, #tpu.memory_space<vmem>> -> memref<80xi32, #tpu.memory_space<vmem>>
    %dma_wait3A_76 = arith.constant 0 : i32
    %dma_wait3A_77 = arith.constant 0 : i32
    %dma_wait3A_78 = tpu.memref_slice %arg2[%dma_wait3A_76, %dma_wait3A_77] : memref<5001x128xf32, #tpu.memory_space<hbm>> -> memref<5001x128xf32, #tpu.memory_space<hbm>>
    tpu.wait_indirect_dma semaphore(%arg9 : memref<!tpu.dma_semaphore, #tpu.memory_space<semaphore_mem>>) src(%dma_wait3A_78 : memref<5001x128xf32, #tpu.memory_space<hbm>>) dst(%dma_wait3A_72 : memref<80x128xf32, #tpu.memory_space<vmem>>)
    %dma_wait3A_79 = arith.constant 3 : i32
    %dma_wait3A_80 = arith.constant 240 : i32
    %dma_wait3A_81 = arith.constant 0 : i32
    %dma_wait3A_82 = tpu.memref_slice %arg8[%dma_wait3A_80, %dma_wait3A_81] : memref<400x128xf32, #tpu.memory_space<vmem>> -> memref<80x128xf32, #tpu.memory_space<vmem>>
    %dma_wait3A_83 = arith.constant 0 : i32
    %dma_wait3A_84 = tpu.memref_slice %arg7[%dma_wait3A_79, %dma_wait3A_83] : memref<5x80xi32, #tpu.memory_space<vmem>> -> memref<1x80xi32, #tpu.memory_space<vmem>>
    %dma_wait3A_85 = tpu.memref_squeeze %dma_wait3A_84 : memref<1x80xi32, #tpu.memory_space<vmem>> -> memref<80xi32, #tpu.memory_space<vmem>>
    %dma_wait3A_86 = arith.constant 0 : i32
    %dma_wait3A_87 = arith.constant 0 : i32
    %dma_wait3A_88 = tpu.memref_slice %arg2[%dma_wait3A_86, %dma_wait3A_87] : memref<5001x128xf32, #tpu.memory_space<hbm>> -> memref<5001x128xf32, #tpu.memory_space<hbm>>
    tpu.wait_indirect_dma semaphore(%arg9 : memref<!tpu.dma_semaphore, #tpu.memory_space<semaphore_mem>>) src(%dma_wait3A_88 : memref<5001x128xf32, #tpu.memory_space<hbm>>) dst(%dma_wait3A_82 : memref<80x128xf32, #tpu.memory_space<vmem>>)
    %dma_wait3A_89 = arith.constant 4 : i32
    %dma_wait3A_90 = arith.constant 320 : i32
    %dma_wait3A_91 = arith.constant 0 : i32
    %dma_wait3A_92 = tpu.memref_slice %arg8[%dma_wait3A_90, %dma_wait3A_91] : memref<400x128xf32, #tpu.memory_space<vmem>> -> memref<80x128xf32, #tpu.memory_space<vmem>>
    %dma_wait3A_93 = arith.constant 0 : i32
    %dma_wait3A_94 = tpu.memref_slice %arg7[%dma_wait3A_89, %dma_wait3A_93] : memref<5x80xi32, #tpu.memory_space<vmem>> -> memref<1x80xi32, #tpu.memory_space<vmem>>
    %dma_wait3A_95 = tpu.memref_squeeze %dma_wait3A_94 : memref<1x80xi32, #tpu.memory_space<vmem>> -> memref<80xi32, #tpu.memory_space<vmem>>
    %dma_wait3A_96 = arith.constant 0 : i32
    %dma_wait3A_97 = arith.constant 0 : i32
    %dma_wait3A_98 = tpu.memref_slice %arg2[%dma_wait3A_96, %dma_wait3A_97] : memref<5001x128xf32, #tpu.memory_space<hbm>> -> memref<5001x128xf32, #tpu.memory_space<hbm>>
    tpu.wait_indirect_dma semaphore(%arg9 : memref<!tpu.dma_semaphore, #tpu.memory_space<semaphore_mem>>) src(%dma_wait3A_98 : memref<5001x128xf32, #tpu.memory_space<hbm>>) dst(%dma_wait3A_92 : memref<80x128xf32, #tpu.memory_space<vmem>>)
    %mul3A_99 = arith.constant 400 : i32
    %mul3A_100 = arith.muli %add3A, %mul3A_99 : i32
    "tpu.region"() ({
      %run_scoped3A = tpu.sem_alloc : memref<!tpu.dma_semaphore, #tpu.memory_space<semaphore_mem>>
      %dma_start3A_203 = arith.constant 0 : i32
      %dma_start3A_204 = tpu.memref_slice %arg5[%mul3A_100, %dma_start3A_203] : memref<12800x128xf32, #tpu.memory_space<hbm>> -> memref<400x128xf32, #tpu.memory_space<hbm>>
      %dma_start3A_205 = arith.constant 0 : i32
      %dma_start3A_206 = tpu.memref_slice %arg5[%mul3A_100, %dma_start3A_205] : memref<12800x128xf32, #tpu.memory_space<hbm>> -> memref<400x128xf32, #tpu.memory_space<hbm>>
      tpu.enqueue_dma source(%arg8 : memref<400x128xf32, #tpu.memory_space<vmem>>) target(%dma_start3A_206 : memref<400x128xf32, #tpu.memory_space<hbm>>) target_semaphore(%run_scoped3A : memref<!tpu.dma_semaphore, #tpu.memory_space<semaphore_mem>>)
      %dma_wait3A_207 = arith.constant 0 : i32
      %dma_wait3A_208 = tpu.memref_slice %arg5[%mul3A_100, %dma_wait3A_207] : memref<12800x128xf32, #tpu.memory_space<hbm>> -> memref<400x128xf32, #tpu.memory_space<hbm>>
      %dma_wait3A_209 = arith.constant 0 : i32
      %dma_wait3A_210 = tpu.memref_slice %arg5[%mul3A_100, %dma_wait3A_209] : memref<12800x128xf32, #tpu.memory_space<hbm>> -> memref<400x128xf32, #tpu.memory_space<hbm>>
      tpu.wait_dma2 semaphore(%run_scoped3A : memref<!tpu.dma_semaphore, #tpu.memory_space<semaphore_mem>>) src(%arg8 : memref<400x128xf32, #tpu.memory_space<vmem>>) dst(%dma_wait3A_210 : memref<400x128xf32, #tpu.memory_space<hbm>>)
      tpu.yield
    }) : () -> ()
    %dma_start3A_101 = arith.constant 0 : i32
    %dma_start3A_102 = arith.constant 0 : i32
    %dma_start3A_103 = arith.constant 0 : i32
    %dma_start3A_104 = tpu.memref_slice %arg8[%dma_start3A_102, %dma_start3A_103] : memref<400x128xf32, #tpu.memory_space<vmem>> -> memref<80x128xf32, #tpu.memory_space<vmem>>
    %dma_start3A_105 = arith.constant 0 : i32
    %dma_start3A_106 = tpu.memref_slice %arg7[%dma_start3A_101, %dma_start3A_105] : memref<5x80xi32, #tpu.memory_space<vmem>> -> memref<1x80xi32, #tpu.memory_space<vmem>>
    %dma_start3A_107 = tpu.memref_squeeze %dma_start3A_106 : memref<1x80xi32, #tpu.memory_space<vmem>> -> memref<80xi32, #tpu.memory_space<vmem>>
    %dma_start3A_108 = arith.constant 0 : i32
    %dma_start3A_109 = arith.constant 0 : i32
    %dma_start3A_110 = tpu.memref_slice %arg3[%dma_start3A_108, %dma_start3A_109] : memref<5001x128xf32, #tpu.memory_space<hbm>> -> memref<5001x128xf32, #tpu.memory_space<hbm>>
    tpu.enqueue_indirect_dma source(%dma_start3A_110 : memref<5001x128xf32, #tpu.memory_space<hbm>>) target(%dma_start3A_104 : memref<80x128xf32, #tpu.memory_space<vmem>>) offsets(%dma_start3A_107 : memref<80xi32, #tpu.memory_space<vmem>>) semaphore(%arg9 : memref<!tpu.dma_semaphore, #tpu.memory_space<semaphore_mem>>)
    %dma_start3A_111 = arith.constant 1 : i32
    %dma_start3A_112 = arith.constant 80 : i32
    %dma_start3A_113 = arith.constant 0 : i32
    %dma_start3A_114 = tpu.memref_slice %arg8[%dma_start3A_112, %dma_start3A_113] : memref<400x128xf32, #tpu.memory_space<vmem>> -> memref<80x128xf32, #tpu.memory_space<vmem>>
    %dma_start3A_115 = arith.constant 0 : i32
    %dma_start3A_116 = tpu.memref_slice %arg7[%dma_start3A_111, %dma_start3A_115] : memref<5x80xi32, #tpu.memory_space<vmem>> -> memref<1x80xi32, #tpu.memory_space<vmem>>
    %dma_start3A_117 = tpu.memref_squeeze %dma_start3A_116 : memref<1x80xi32, #tpu.memory_space<vmem>> -> memref<80xi32, #tpu.memory_space<vmem>>
    %dma_start3A_118 = arith.constant 0 : i32
    %dma_start3A_119 = arith.constant 0 : i32
    %dma_start3A_120 = tpu.memref_slice %arg3[%dma_start3A_118, %dma_start3A_119] : memref<5001x128xf32, #tpu.memory_space<hbm>> -> memref<5001x128xf32, #tpu.memory_space<hbm>>
    tpu.enqueue_indirect_dma source(%dma_start3A_120 : memref<5001x128xf32, #tpu.memory_space<hbm>>) target(%dma_start3A_114 : memref<80x128xf32, #tpu.memory_space<vmem>>) offsets(%dma_start3A_117 : memref<80xi32, #tpu.memory_space<vmem>>) semaphore(%arg9 : memref<!tpu.dma_semaphore, #tpu.memory_space<semaphore_mem>>)
    %dma_start3A_121 = arith.constant 2 : i32
    %dma_start3A_122 = arith.constant 160 : i32
    %dma_start3A_123 = arith.constant 0 : i32
    %dma_start3A_124 = tpu.memref_slice %arg8[%dma_start3A_122, %dma_start3A_123] : memref<400x128xf32, #tpu.memory_space<vmem>> -> memref<80x128xf32, #tpu.memory_space<vmem>>
    %dma_start3A_125 = arith.constant 0 : i32
    %dma_start3A_126 = tpu.memref_slice %arg7[%dma_start3A_121, %dma_start3A_125] : memref<5x80xi32, #tpu.memory_space<vmem>> -> memref<1x80xi32, #tpu.memory_space<vmem>>
    %dma_start3A_127 = tpu.memref_squeeze %dma_start3A_126 : memref<1x80xi32, #tpu.memory_space<vmem>> -> memref<80xi32, #tpu.memory_space<vmem>>
    %dma_start3A_128 = arith.constant 0 : i32
    %dma_start3A_129 = arith.constant 0 : i32
    %dma_start3A_130 = tpu.memref_slice %arg3[%dma_start3A_128, %dma_start3A_129] : memref<5001x128xf32, #tpu.memory_space<hbm>> -> memref<5001x128xf32, #tpu.memory_space<hbm>>
    tpu.enqueue_indirect_dma source(%dma_start3A_130 : memref<5001x128xf32, #tpu.memory_space<hbm>>) target(%dma_start3A_124 : memref<80x128xf32, #tpu.memory_space<vmem>>) offsets(%dma_start3A_127 : memref<80xi32, #tpu.memory_space<vmem>>) semaphore(%arg9 : memref<!tpu.dma_semaphore, #tpu.memory_space<semaphore_mem>>)
    %dma_start3A_131 = arith.constant 3 : i32
    %dma_start3A_132 = arith.constant 240 : i32
    %dma_start3A_133 = arith.constant 0 : i32
    %dma_start3A_134 = tpu.memref_slice %arg8[%dma_start3A_132, %dma_start3A_133] : memref<400x128xf32, #tpu.memory_space<vmem>> -> memref<80x128xf32, #tpu.memory_space<vmem>>
    %dma_start3A_135 = arith.constant 0 : i32
    %dma_start3A_136 = tpu.memref_slice %arg7[%dma_start3A_131, %dma_start3A_135] : memref<5x80xi32, #tpu.memory_space<vmem>> -> memref<1x80xi32, #tpu.memory_space<vmem>>
    %dma_start3A_137 = tpu.memref_squeeze %dma_start3A_136 : memref<1x80xi32, #tpu.memory_space<vmem>> -> memref<80xi32, #tpu.memory_space<vmem>>
    %dma_start3A_138 = arith.constant 0 : i32
    %dma_start3A_139 = arith.constant 0 : i32
    %dma_start3A_140 = tpu.memref_slice %arg3[%dma_start3A_138, %dma_start3A_139] : memref<5001x128xf32, #tpu.memory_space<hbm>> -> memref<5001x128xf32, #tpu.memory_space<hbm>>
    tpu.enqueue_indirect_dma source(%dma_start3A_140 : memref<5001x128xf32, #tpu.memory_space<hbm>>) target(%dma_start3A_134 : memref<80x128xf32, #tpu.memory_space<vmem>>) offsets(%dma_start3A_137 : memref<80xi32, #tpu.memory_space<vmem>>) semaphore(%arg9 : memref<!tpu.dma_semaphore, #tpu.memory_space<semaphore_mem>>)
    %dma_start3A_141 = arith.constant 4 : i32
    %dma_start3A_142 = arith.constant 320 : i32
    %dma_start3A_143 = arith.constant 0 : i32
    %dma_start3A_144 = tpu.memref_slice %arg8[%dma_start3A_142, %dma_start3A_143] : memref<400x128xf32, #tpu.memory_space<vmem>> -> memref<80x128xf32, #tpu.memory_space<vmem>>
    %dma_start3A_145 = arith.constant 0 : i32
    %dma_start3A_146 = tpu.memref_slice %arg7[%dma_start3A_141, %dma_start3A_145] : memref<5x80xi32, #tpu.memory_space<vmem>> -> memref<1x80xi32, #tpu.memory_space<vmem>>
    %dma_start3A_147 = tpu.memref_squeeze %dma_start3A_146 : memref<1x80xi32, #tpu.memory_space<vmem>> -> memref<80xi32, #tpu.memory_space<vmem>>
    %dma_start3A_148 = arith.constant 0 : i32
    %dma_start3A_149 = arith.constant 0 : i32
    %dma_start3A_150 = tpu.memref_slice %arg3[%dma_start3A_148, %dma_start3A_149] : memref<5001x128xf32, #tpu.memory_space<hbm>> -> memref<5001x128xf32, #tpu.memory_space<hbm>>
    tpu.enqueue_indirect_dma source(%dma_start3A_150 : memref<5001x128xf32, #tpu.memory_space<hbm>>) target(%dma_start3A_144 : memref<80x128xf32, #tpu.memory_space<vmem>>) offsets(%dma_start3A_147 : memref<80xi32, #tpu.memory_space<vmem>>) semaphore(%arg9 : memref<!tpu.dma_semaphore, #tpu.memory_space<semaphore_mem>>)
    %dma_wait3A_151 = arith.constant 0 : i32
    %dma_wait3A_152 = arith.constant 0 : i32
    %dma_wait3A_153 = arith.constant 0 : i32
    %dma_wait3A_154 = tpu.memref_slice %arg8[%dma_wait3A_152, %dma_wait3A_153] : memref<400x128xf32, #tpu.memory_space<vmem>> -> memref<80x128xf32, #tpu.memory_space<vmem>>
    %dma_wait3A_155 = arith.constant 0 : i32
    %dma_wait3A_156 = tpu.memref_slice %arg7[%dma_wait3A_151, %dma_wait3A_155] : memref<5x80xi32, #tpu.memory_space<vmem>> -> memref<1x80xi32, #tpu.memory_space<vmem>>
    %dma_wait3A_157 = tpu.memref_squeeze %dma_wait3A_156 : memref<1x80xi32, #tpu.memory_space<vmem>> -> memref<80xi32, #tpu.memory_space<vmem>>
    %dma_wait3A_158 = arith.constant 0 : i32
    %dma_wait3A_159 = arith.constant 0 : i32
    %dma_wait3A_160 = tpu.memref_slice %arg3[%dma_wait3A_158, %dma_wait3A_159] : memref<5001x128xf32, #tpu.memory_space<hbm>> -> memref<5001x128xf32, #tpu.memory_space<hbm>>
    tpu.wait_indirect_dma semaphore(%arg9 : memref<!tpu.dma_semaphore, #tpu.memory_space<semaphore_mem>>) src(%dma_wait3A_160 : memref<5001x128xf32, #tpu.memory_space<hbm>>) dst(%dma_wait3A_154 : memref<80x128xf32, #tpu.memory_space<vmem>>)
    %dma_wait3A_161 = arith.constant 1 : i32
    %dma_wait3A_162 = arith.constant 80 : i32
    %dma_wait3A_163 = arith.constant 0 : i32
    %dma_wait3A_164 = tpu.memref_slice %arg8[%dma_wait3A_162, %dma_wait3A_163] : memref<400x128xf32, #tpu.memory_space<vmem>> -> memref<80x128xf32, #tpu.memory_space<vmem>>
    %dma_wait3A_165 = arith.constant 0 : i32
    %dma_wait3A_166 = tpu.memref_slice %arg7[%dma_wait3A_161, %dma_wait3A_165] : memref<5x80xi32, #tpu.memory_space<vmem>> -> memref<1x80xi32, #tpu.memory_space<vmem>>
    %dma_wait3A_167 = tpu.memref_squeeze %dma_wait3A_166 : memref<1x80xi32, #tpu.memory_space<vmem>> -> memref<80xi32, #tpu.memory_space<vmem>>
    %dma_wait3A_168 = arith.constant 0 : i32
    %dma_wait3A_169 = arith.constant 0 : i32
    %dma_wait3A_170 = tpu.memref_slice %arg3[%dma_wait3A_168, %dma_wait3A_169] : memref<5001x128xf32, #tpu.memory_space<hbm>> -> memref<5001x128xf32, #tpu.memory_space<hbm>>
    tpu.wait_indirect_dma semaphore(%arg9 : memref<!tpu.dma_semaphore, #tpu.memory_space<semaphore_mem>>) src(%dma_wait3A_170 : memref<5001x128xf32, #tpu.memory_space<hbm>>) dst(%dma_wait3A_164 : memref<80x128xf32, #tpu.memory_space<vmem>>)
    %dma_wait3A_171 = arith.constant 2 : i32
    %dma_wait3A_172 = arith.constant 160 : i32
    %dma_wait3A_173 = arith.constant 0 : i32
    %dma_wait3A_174 = tpu.memref_slice %arg8[%dma_wait3A_172, %dma_wait3A_173] : memref<400x128xf32, #tpu.memory_space<vmem>> -> memref<80x128xf32, #tpu.memory_space<vmem>>
    %dma_wait3A_175 = arith.constant 0 : i32
    %dma_wait3A_176 = tpu.memref_slice %arg7[%dma_wait3A_171, %dma_wait3A_175] : memref<5x80xi32, #tpu.memory_space<vmem>> -> memref<1x80xi32, #tpu.memory_space<vmem>>
    %dma_wait3A_177 = tpu.memref_squeeze %dma_wait3A_176 : memref<1x80xi32, #tpu.memory_space<vmem>> -> memref<80xi32, #tpu.memory_space<vmem>>
    %dma_wait3A_178 = arith.constant 0 : i32
    %dma_wait3A_179 = arith.constant 0 : i32
    %dma_wait3A_180 = tpu.memref_slice %arg3[%dma_wait3A_178, %dma_wait3A_179] : memref<5001x128xf32, #tpu.memory_space<hbm>> -> memref<5001x128xf32, #tpu.memory_space<hbm>>
    tpu.wait_indirect_dma semaphore(%arg9 : memref<!tpu.dma_semaphore, #tpu.memory_space<semaphore_mem>>) src(%dma_wait3A_180 : memref<5001x128xf32, #tpu.memory_space<hbm>>) dst(%dma_wait3A_174 : memref<80x128xf32, #tpu.memory_space<vmem>>)
    %dma_wait3A_181 = arith.constant 3 : i32
    %dma_wait3A_182 = arith.constant 240 : i32
    %dma_wait3A_183 = arith.constant 0 : i32
    %dma_wait3A_184 = tpu.memref_slice %arg8[%dma_wait3A_182, %dma_wait3A_183] : memref<400x128xf32, #tpu.memory_space<vmem>> -> memref<80x128xf32, #tpu.memory_space<vmem>>
    %dma_wait3A_185 = arith.constant 0 : i32
    %dma_wait3A_186 = tpu.memref_slice %arg7[%dma_wait3A_181, %dma_wait3A_185] : memref<5x80xi32, #tpu.memory_space<vmem>> -> memref<1x80xi32, #tpu.memory_space<vmem>>
    %dma_wait3A_187 = tpu.memref_squeeze %dma_wait3A_186 : memref<1x80xi32, #tpu.memory_space<vmem>> -> memref<80xi32, #tpu.memory_space<vmem>>
    %dma_wait3A_188 = arith.constant 0 : i32
    %dma_wait3A_189 = arith.constant 0 : i32
    %dma_wait3A_190 = tpu.memref_slice %arg3[%dma_wait3A_188, %dma_wait3A_189] : memref<5001x128xf32, #tpu.memory_space<hbm>> -> memref<5001x128xf32, #tpu.memory_space<hbm>>
    tpu.wait_indirect_dma semaphore(%arg9 : memref<!tpu.dma_semaphore, #tpu.memory_space<semaphore_mem>>) src(%dma_wait3A_190 : memref<5001x128xf32, #tpu.memory_space<hbm>>) dst(%dma_wait3A_184 : memref<80x128xf32, #tpu.memory_space<vmem>>)
    %dma_wait3A_191 = arith.constant 4 : i32
    %dma_wait3A_192 = arith.constant 320 : i32
    %dma_wait3A_193 = arith.constant 0 : i32
    %dma_wait3A_194 = tpu.memref_slice %arg8[%dma_wait3A_192, %dma_wait3A_193] : memref<400x128xf32, #tpu.memory_space<vmem>> -> memref<80x128xf32, #tpu.memory_space<vmem>>
    %dma_wait3A_195 = arith.constant 0 : i32
    %dma_wait3A_196 = tpu.memref_slice %arg7[%dma_wait3A_191, %dma_wait3A_195] : memref<5x80xi32, #tpu.memory_space<vmem>> -> memref<1x80xi32, #tpu.memory_space<vmem>>
    %dma_wait3A_197 = tpu.memref_squeeze %dma_wait3A_196 : memref<1x80xi32, #tpu.memory_space<vmem>> -> memref<80xi32, #tpu.memory_space<vmem>>
    %dma_wait3A_198 = arith.constant 0 : i32
    %dma_wait3A_199 = arith.constant 0 : i32
    %dma_wait3A_200 = tpu.memref_slice %arg3[%dma_wait3A_198, %dma_wait3A_199] : memref<5001x128xf32, #tpu.memory_space<hbm>> -> memref<5001x128xf32, #tpu.memory_space<hbm>>
    tpu.wait_indirect_dma semaphore(%arg9 : memref<!tpu.dma_semaphore, #tpu.memory_space<semaphore_mem>>) src(%dma_wait3A_200 : memref<5001x128xf32, #tpu.memory_space<hbm>>) dst(%dma_wait3A_194 : memref<80x128xf32, #tpu.memory_space<vmem>>)
    %mul3A_201 = arith.constant 400 : i32
    %mul3A_202 = arith.muli %add3A, %mul3A_201 : i32
    "tpu.region"() ({
      %run_scoped3A = tpu.sem_alloc : memref<!tpu.dma_semaphore, #tpu.memory_space<semaphore_mem>>
      %dma_start3A_203 = arith.constant 0 : i32
      %dma_start3A_204 = tpu.memref_slice %arg6[%mul3A_202, %dma_start3A_203] : memref<12800x128xf32, #tpu.memory_space<hbm>> -> memref<400x128xf32, #tpu.memory_space<hbm>>
      %dma_start3A_205 = arith.constant 0 : i32
      %dma_start3A_206 = tpu.memref_slice %arg6[%mul3A_202, %dma_start3A_205] : memref<12800x128xf32, #tpu.memory_space<hbm>> -> memref<400x128xf32, #tpu.memory_space<hbm>>
      tpu.enqueue_dma source(%arg8 : memref<400x128xf32, #tpu.memory_space<vmem>>) target(%dma_start3A_206 : memref<400x128xf32, #tpu.memory_space<hbm>>) target_semaphore(%run_scoped3A : memref<!tpu.dma_semaphore, #tpu.memory_space<semaphore_mem>>)
      %dma_wait3A_207 = arith.constant 0 : i32
      %dma_wait3A_208 = tpu.memref_slice %arg6[%mul3A_202, %dma_wait3A_207] : memref<12800x128xf32, #tpu.memory_space<hbm>> -> memref<400x128xf32, #tpu.memory_space<hbm>>
      %dma_wait3A_209 = arith.constant 0 : i32
      %dma_wait3A_210 = tpu.memref_slice %arg6[%mul3A_202, %dma_wait3A_209] : memref<12800x128xf32, #tpu.memory_space<hbm>> -> memref<400x128xf32, #tpu.memory_space<hbm>>
      tpu.wait_dma2 semaphore(%run_scoped3A : memref<!tpu.dma_semaphore, #tpu.memory_space<semaphore_mem>>) src(%arg8 : memref<400x128xf32, #tpu.memory_space<vmem>>) dst(%dma_wait3A_210 : memref<400x128xf32, #tpu.memory_space<hbm>>)
      tpu.yield
    }) : () -> ()
    return
  }
}

module attributes {stable_mosaic.version = 14 : i64} {
  func.func @_proj_body(%arg0: memref<5001x64xf32, #tpu.memory_space<vmem>>, %arg1: memref<64x5001xf32, #tpu.memory_space<vmem>>, %arg2: memref<64x64xf32, #tpu.memory_space<vmem>>, %arg3: memref<64x64xf32, #tpu.memory_space<vmem>>, %arg4: memref<64x1xf32, #tpu.memory_space<vmem>>, %arg5: memref<1x64xf32, #tpu.memory_space<vmem>>, %arg6: memref<5001x65xf32, #tpu.memory_space<vmem>>, %arg7: memref<1x64xf32, #tpu.memory_space<vmem>>, %arg8: memref<5001x1xf32, #tpu.memory_space<vmem>>, %arg9: memref<1x5001xf32, #tpu.memory_space<vmem>>) attributes {dimension_semantics = [], scalar_prefetch = 0 : i64, scratch_operands = 0 : i64, tpu.core_type = #tpu.core_type<tc>} {
    %get3A = arith.constant 0 : index
    %get3A_0 = arith.constant 0 : index
    %get3A_1 = vector.load %arg0[%get3A, %get3A_0] : memref<5001x64xf32, #tpu.memory_space<vmem>>, vector<5001x64xf32>
    %get3A_2 = arith.constant 0 : index
    %get3A_3 = arith.constant 0 : index
    %get3A_4 = vector.load %arg2[%get3A_2, %get3A_3] : memref<64x64xf32, #tpu.memory_space<vmem>>, vector<64x64xf32>
    %dot_general3A = arith.constant dense<0.000000e+00> : vector<5001x64xf32>
    %dot_general3A_5 = tpu.matmul %get3A_1, %get3A_4, %dot_general3A {dimension_numbers = #tpu.dot_dimension_numbers<[1], [0], [0], [1], [0, 0, 1, 1], [], []>, transpose_lhs_hint = false} : vector<5001x64xf32>, vector<64x64xf32>, vector<5001x64xf32> -> vector<5001x64xf32>
    %broadcast_in_dim3A = arith.constant 1.000000e+00 : f32
    %broadcast_in_dim3A_6 = vector.broadcast %broadcast_in_dim3A : f32 to vector<5001x1xf32>
    %concatenate3A = tpu.concatenate %dot_general3A_5, %broadcast_in_dim3A_6 in 1 : vector<5001x64xf32>, vector<5001x1xf32> -> vector<5001x65xf32>
    %swap3A = arith.constant 0 : index
    %swap3A_7 = arith.constant 0 : index
    %swap3A_8 = vector.load %arg6[%swap3A, %swap3A_7] : memref<5001x65xf32, #tpu.memory_space<vmem>>, vector<5001x65xf32>
    tpu.vector_store %arg6[%swap3A, %swap3A_7], %concatenate3A {strides = array<i32>} : memref<5001x65xf32, #tpu.memory_space<vmem>>, vector<5001x65xf32>,
    %broadcast_in_dim3A_9 = arith.constant 1.000000e+00 : f32
    %broadcast_in_dim3A_10 = vector.broadcast %broadcast_in_dim3A_9 : f32 to vector<1x5001xf32>
    %dot_general3A_11 = arith.constant dense<0.000000e+00> : vector<1x64xf32>
    %dot_general3A_12 = tpu.matmul %broadcast_in_dim3A_10, %dot_general3A_5, %dot_general3A_11 {dimension_numbers = #tpu.dot_dimension_numbers<[1], [0], [0], [1], [0, 0, 1, 1], [], []>, transpose_lhs_hint = false} : vector<1x5001xf32>, vector<5001x64xf32>, vector<1x64xf32> -> vector<1x64xf32>
    %div3A = arith.constant 5.001000e+03 : f32
    %div3A_13 = vector.broadcast %div3A : f32 to vector<1x64xf32>
    %div3A_14 = arith.divf %dot_general3A_12, %div3A_13 : vector<1x64xf32>
    %swap3A_15 = arith.constant 0 : index
    %swap3A_16 = arith.constant 0 : index
    %swap3A_17 = vector.load %arg7[%swap3A_15, %swap3A_16] : memref<1x64xf32, #tpu.memory_space<vmem>>, vector<1x64xf32>
    tpu.vector_store %arg7[%swap3A_15, %swap3A_16], %div3A_14 {strides = array<i32>} : memref<1x64xf32, #tpu.memory_space<vmem>>, vector<1x64xf32>,
    %get3A_18 = arith.constant 0 : index
    %get3A_19 = arith.constant 0 : index
    %get3A_20 = vector.load %arg4[%get3A_18, %get3A_19] : memref<64x1xf32, #tpu.memory_space<vmem>>, vector<64x1xf32>
    %dot_general3A_21 = arith.constant dense<0.000000e+00> : vector<5001x1xf32>
    %dot_general3A_22 = tpu.matmul %dot_general3A_5, %get3A_20, %dot_general3A_21 {dimension_numbers = #tpu.dot_dimension_numbers<[1], [0], [0], [1], [0, 0, 1, 1], [], []>, transpose_lhs_hint = false} : vector<5001x64xf32>, vector<64x1xf32>, vector<5001x1xf32> -> vector<5001x1xf32>
    %swap3A_23 = arith.constant 0 : index
    %swap3A_24 = arith.constant 0 : index
    %swap3A_25 = vector.load %arg8[%swap3A_23, %swap3A_24] : memref<5001x1xf32, #tpu.memory_space<vmem>>, vector<5001x1xf32>
    tpu.vector_store %arg8[%swap3A_23, %swap3A_24], %dot_general3A_22 {strides = array<i32>} : memref<5001x1xf32, #tpu.memory_space<vmem>>, vector<5001x1xf32>,
    %get3A_26 = arith.constant 0 : index
    %get3A_27 = arith.constant 0 : index
    %get3A_28 = vector.load %arg5[%get3A_26, %get3A_27] : memref<1x64xf32, #tpu.memory_space<vmem>>, vector<1x64xf32>
    %get3A_29 = arith.constant 0 : index
    %get3A_30 = arith.constant 0 : index
    %get3A_31 = vector.load %arg3[%get3A_29, %get3A_30] : memref<64x64xf32, #tpu.memory_space<vmem>>, vector<64x64xf32>
    %dot_general3A_32 = arith.constant dense<0.000000e+00> : vector<1x64xf32>
    %dot_general3A_33 = tpu.matmul %get3A_28, %get3A_31, %dot_general3A_32 {dimension_numbers = #tpu.dot_dimension_numbers<[1], [0], [0], [1], [0, 0, 1, 1], [], []>, transpose_lhs_hint = false} : vector<1x64xf32>, vector<64x64xf32>, vector<1x64xf32> -> vector<1x64xf32>
    %get3A_34 = arith.constant 0 : index
    %get3A_35 = arith.constant 0 : index
    %get3A_36 = vector.load %arg1[%get3A_34, %get3A_35] : memref<64x5001xf32, #tpu.memory_space<vmem>>, vector<64x5001xf32>
    %dot_general3A_37 = arith.constant dense<0.000000e+00> : vector<1x5001xf32>
    %dot_general3A_38 = tpu.matmul %dot_general3A_33, %get3A_36, %dot_general3A_37 {dimension_numbers = #tpu.dot_dimension_numbers<[1], [0], [0], [1], [0, 0, 1, 1], [], []>, transpose_lhs_hint = false} : vector<1x64xf32>, vector<64x5001xf32>, vector<1x5001xf32> -> vector<1x5001xf32>
    %swap3A_39 = arith.constant 0 : index
    %swap3A_40 = arith.constant 0 : index
    %swap3A_41 = vector.load %arg9[%swap3A_39, %swap3A_40] : memref<1x5001xf32, #tpu.memory_space<vmem>>, vector<1x5001xf32>
    tpu.vector_store %arg9[%swap3A_39, %swap3A_40], %dot_general3A_38 {strides = array<i32>} : memref<1x5001xf32, #tpu.memory_space<vmem>>, vector<1x5001xf32>,
    return
  }
}

module attributes {stable_mosaic.version = 14 : i64} {
  func.func @_graph_body(%arg0: i32, %arg1: memref<256x5001xf32, #tpu.memory_space<vmem>>, %arg2: memref<256x1xf32, #tpu.memory_space<vmem>>, %arg3: memref<1x5001xf32, #tpu.memory_space<vmem>>, %arg4: memref<5001x65xf32, #tpu.memory_space<vmem>>, %arg5: memref<1x64xf32, #tpu.memory_space<vmem>>, %arg6: memref<64x64xf32, #tpu.memory_space<vmem>>, %arg7: memref<64x64xf32, #tpu.memory_space<vmem>>, %arg8: memref<256x64xf32, #tpu.memory_space<vmem>>, %arg9: memref<256x128xf32, #tpu.memory_space<vmem>>, %arg10: memref<256x128xf32, #tpu.memory_space<vmem>>) attributes {dimension_semantics = [#tpu.dimension_semantics<arbitrary>], iteration_bounds = array<i64: 20>, scalar_prefetch = 0 : i64, scratch_operands = 0 : i64, tpu.core_type = #tpu.core_type<tc>, window_params = [{transform_indices = @transform_0, window_bounds = array<i64: 256, 5001>}, {transform_indices = @transform_1, window_bounds = array<i64: 256, 1>}, {pipeline_mode = #tpu.pipeline_mode<synchronous>, transform_indices = @transform_2, window_bounds = array<i64: 1, 5001>}, {pipeline_mode = #tpu.pipeline_mode<synchronous>, transform_indices = @transform_3, window_bounds = array<i64: 5001, 65>}, {pipeline_mode = #tpu.pipeline_mode<synchronous>, transform_indices = @transform_4, window_bounds = array<i64: 1, 64>}, {pipeline_mode = #tpu.pipeline_mode<synchronous>, transform_indices = @transform_5, window_bounds = array<i64: 64, 64>}, {pipeline_mode = #tpu.pipeline_mode<synchronous>, transform_indices = @transform_6, window_bounds = array<i64: 64, 64>}, {transform_indices = @transform_7, window_bounds = array<i64: 256, 64>}, {transform_indices = @transform_8, window_bounds = array<i64: 256, 128>}, {transform_indices = @transform_9, window_bounds = array<i64: 256, 128>}]} {
    %get3A = arith.constant 0 : index
    %get3A_0 = arith.constant 0 : index
    %get3A_1 = vector.load %arg1[%get3A, %get3A_0] : memref<256x5001xf32, #tpu.memory_space<vmem>>, vector<256x5001xf32>
    %get3A_2 = arith.constant 0 : index
    %get3A_3 = arith.constant 0 : index
    %get3A_4 = vector.load %arg2[%get3A_2, %get3A_3] : memref<256x1xf32, #tpu.memory_space<vmem>>, vector<256x1xf32>
    %get3A_5 = arith.constant 0 : index
    %get3A_6 = arith.constant 0 : index
    %get3A_7 = vector.load %arg3[%get3A_5, %get3A_6] : memref<1x5001xf32, #tpu.memory_space<vmem>>, vector<1x5001xf32>
    %add3A = vector.broadcast %get3A_4 : vector<256x1xf32> to vector<256x5001xf32>
    %add3A_8 = vector.broadcast %get3A_7 : vector<1x5001xf32> to vector<256x5001xf32>
    %add3A_9 = arith.addf %add3A, %add3A_8 : vector<256x5001xf32>
    %mul3A = arith.constant 0.00999999977 : f32
    %mul3A_10 = vector.broadcast %mul3A : f32 to vector<256x5001xf32>
    %mul3A_11 = arith.mulf %mul3A_10, %add3A_9 : vector<256x5001xf32>
    %max3A = arith.maximumf %add3A_9, %mul3A_11 : vector<256x5001xf32>
    %gt3A = arith.constant 0.000000e+00 : f32
    %gt3A_12 = vector.broadcast %gt3A : f32 to vector<256x5001xf32>
    %gt3A_13 = arith.cmpf ogt, %get3A_1, %gt3A_12 : vector<256x5001xf32>
    %exp3A = math.exp %max3A : vector<256x5001xf32>
    %jit3A = arith.constant 0.000000e+00 : f32
    %broadcast_in_dim3A = vector.broadcast %jit3A : f32 to vector<256x5001xf32>
    %select_n3A = arith.select %gt3A_13, %exp3A, %broadcast_in_dim3A : vector<256x5001xi1>, vector<256x5001xf32>
    %get3A_14 = arith.constant 0 : index
    %get3A_15 = arith.constant 0 : index
    %get3A_16 = vector.load %arg4[%get3A_14, %get3A_15] : memref<5001x65xf32, #tpu.memory_space<vmem>>, vector<5001x65xf32>
    %dot_general3A = arith.constant dense<0.000000e+00> : vector<256x65xf32>
    %dot_general3A_17 = tpu.matmul %select_n3A, %get3A_16, %dot_general3A {dimension_numbers = #tpu.dot_dimension_numbers<[1], [0], [0], [1], [0, 0, 1, 1], [], []>, transpose_lhs_hint = false} : vector<256x5001xf32>, vector<5001x65xf32>, vector<256x65xf32> -> vector<256x65xf32>
    %dot_general3A_18 = arith.constant dense<0.000000e+00> : vector<256x65xf32>
    %dot_general3A_19 = tpu.matmul %get3A_1, %get3A_16, %dot_general3A_18 {dimension_numbers = #tpu.dot_dimension_numbers<[1], [0], [0], [1], [0, 0, 1, 1], [], []>, transpose_lhs_hint = false} : vector<256x5001xf32>, vector<5001x65xf32>, vector<256x65xf32> -> vector<256x65xf32>
    %slice3A = vector.extract_strided_slice %dot_general3A_17 {offsets = [0, 64], sizes = [256, 1], strides = [1, 1]} : vector<256x65xf32> to vector<256x1xf32>
    %slice3A_20 = vector.extract_strided_slice %dot_general3A_19 {offsets = [0, 64], sizes = [256, 1], strides = [1, 1]} : vector<256x65xf32> to vector<256x1xf32>
    %gt3A_21 = arith.constant 0.000000e+00 : f32
    %gt3A_22 = vector.broadcast %gt3A_21 : f32 to vector<256x1xf32>
    %gt3A_23 = arith.cmpf ogt, %slice3A, %gt3A_22 : vector<256x1xf32>
    %jit3A_24 = arith.constant 1.000000e+00 : f32
    %broadcast_in_dim3A_25 = vector.broadcast %jit3A_24 : f32 to vector<256x1xf32>
    %select_n3A_26 = arith.select %gt3A_23, %slice3A, %broadcast_in_dim3A_25 : vector<256x1xi1>, vector<256x1xf32>
    %div3A = arith.constant 1.000000e+00 : f32
    %div3A_27 = vector.broadcast %div3A : f32 to vector<256x1xf32>
    %div3A_28 = arith.divf %div3A_27, %select_n3A_26 : vector<256x1xf32>
    %gt3A_29 = arith.constant 0.000000e+00 : f32
    %gt3A_30 = vector.broadcast %gt3A_29 : f32 to vector<256x1xf32>
    %gt3A_31 = arith.cmpf ogt, %slice3A, %gt3A_30 : vector<256x1xf32>
    %slice3A_32 = vector.extract_strided_slice %dot_general3A_17 {offsets = [0, 0], sizes = [256, 64], strides = [1, 1]} : vector<256x65xf32> to vector<256x64xf32>
    %mul3A_33 = vector.broadcast %div3A_28 : vector<256x1xf32> to vector<256x64xf32>
    %mul3A_34 = arith.mulf %slice3A_32, %mul3A_33 : vector<256x64xf32>
    %get3A_35 = arith.constant 0 : index
    %get3A_36 = arith.constant 0 : index
    %get3A_37 = vector.load %arg5[%get3A_35, %get3A_36] : memref<1x64xf32, #tpu.memory_space<vmem>>, vector<1x64xf32>
    %broadcast_in_dim3A_38 = vector.shape_cast %gt3A_31 : vector<256x1xi1> to vector<256x1xi1>
    %broadcast_in_dim3A_39 = vector.broadcast %broadcast_in_dim3A_38 : vector<256x1xi1> to vector<256x64xi1>
    %broadcast_in_dim3A_40 = vector.shape_cast %get3A_37 : vector<1x64xf32> to vector<1x64xf32>
    %broadcast_in_dim3A_41 = vector.broadcast %broadcast_in_dim3A_40 : vector<1x64xf32> to vector<256x64xf32>
    %select_n3A_42 = arith.select %broadcast_in_dim3A_39, %mul3A_34, %broadcast_in_dim3A_41 : vector<256x64xi1>, vector<256x64xf32>
    %slice3A_43 = vector.extract_strided_slice %dot_general3A_19 {offsets = [0, 0], sizes = [256, 64], strides = [1, 1]} : vector<256x65xf32> to vector<256x64xf32>
    %add3A_44 = arith.constant 9.99999993E-9 : f32
    %add3A_45 = vector.broadcast %add3A_44 : f32 to vector<256x1xf32>
    %add3A_46 = arith.addf %slice3A_20, %add3A_45 : vector<256x1xf32>
    %div3A_47 = arith.constant 1.000000e+00 : f32
    %div3A_48 = vector.broadcast %div3A_47 : f32 to vector<256x1xf32>
    %div3A_49 = arith.divf %div3A_48, %add3A_46 : vector<256x1xf32>
    %mul3A_50 = vector.broadcast %div3A_49 : vector<256x1xf32> to vector<256x64xf32>
    %mul3A_51 = arith.mulf %slice3A_43, %mul3A_50 : vector<256x64xf32>
    %get3A_52 = arith.constant 0 : index
    %get3A_53 = arith.constant 0 : index
    %get3A_54 = vector.load %arg6[%get3A_52, %get3A_53] : memref<64x64xf32, #tpu.memory_space<vmem>>, vector<64x64xf32>
    %dot_general3A_55 = arith.constant dense<0.000000e+00> : vector<256x64xf32>
    %dot_general3A_56 = tpu.matmul %select_n3A_42, %get3A_54, %dot_general3A_55 {dimension_numbers = #tpu.dot_dimension_numbers<[1], [0], [0], [1], [0, 0, 1, 1], [], []>, transpose_lhs_hint = false} : vector<256x64xf32>, vector<64x64xf32>, vector<256x64xf32> -> vector<256x64xf32>
    %get3A_57 = arith.constant 0 : index
    %get3A_58 = arith.constant 0 : index
    %get3A_59 = vector.load %arg7[%get3A_57, %get3A_58] : memref<64x64xf32, #tpu.memory_space<vmem>>, vector<64x64xf32>
    %dot_general3A_60 = arith.constant dense<0.000000e+00> : vector<256x64xf32>
    %dot_general3A_61 = tpu.matmul %mul3A_51, %get3A_59, %dot_general3A_60 {dimension_numbers = #tpu.dot_dimension_numbers<[1], [0], [0], [1], [0, 0, 1, 1], [], []>, transpose_lhs_hint = false} : vector<256x64xf32>, vector<64x64xf32>, vector<256x64xf32> -> vector<256x64xf32>
    %add3A_62 = arith.addf %dot_general3A_56, %dot_general3A_61 : vector<256x64xf32>
    %concatenate3A = tpu.concatenate %select_n3A_42, %mul3A_51 in 1 : vector<256x64xf32>, vector<256x64xf32> -> vector<256x128xf32>
    %swap3A = arith.constant 0 : index
    %swap3A_63 = arith.constant 0 : index
    %swap3A_64 = vector.load %arg9[%swap3A, %swap3A_63] : memref<256x128xf32, #tpu.memory_space<vmem>>, vector<256x128xf32>
    tpu.vector_store %arg9[%swap3A, %swap3A_63], %concatenate3A {strides = array<i32>} : memref<256x128xf32, #tpu.memory_space<vmem>>, vector<256x128xf32>,
    %get3A_65 = arith.constant 0 : index
    %get3A_66 = arith.constant 0 : index
    %get3A_67 = vector.load %arg8[%get3A_65, %get3A_66] : memref<256x64xf32, #tpu.memory_space<vmem>>, vector<256x64xf32>
    %concatenate3A_68 = tpu.concatenate %add3A_62, %get3A_67 in 1 : vector<256x64xf32>, vector<256x64xf32> -> vector<256x128xf32>
    %swap3A_69 = arith.constant 0 : index
    %swap3A_70 = arith.constant 0 : index
    %swap3A_71 = vector.load %arg10[%swap3A_69, %swap3A_70] : memref<256x128xf32, #tpu.memory_space<vmem>>, vector<256x128xf32>
    tpu.vector_store %arg10[%swap3A_69, %swap3A_70], %concatenate3A_68 {strides = array<i32>} : memref<256x128xf32, #tpu.memory_space<vmem>>, vector<256x128xf32>,
    return
  }
  func.func @transform_0(%arg0: i32) -> (i32, i32) {
    %c0_i32 = arith.constant 0 : i32
    %c0_i32_0 = arith.constant 0 : i32
    return %arg0, %c0_i32 : i32, i32
  }
  func.func @transform_1(%arg0: i32) -> (i32, i32) {
    %c0_i32 = arith.constant 0 : i32
    %c0_i32_0 = arith.constant 0 : i32
    return %arg0, %c0_i32 : i32, i32
  }
  func.func @transform_2(%arg0: i32) -> (i32, i32) {
    %c0_i32 = arith.constant 0 : i32
    %c0_i32_0 = arith.constant 0 : i32
    %c0_i32_1 = arith.constant 0 : i32
    return %c0_i32, %c0_i32_0 : i32, i32
  }
  func.func @transform_3(%arg0: i32) -> (i32, i32) {
    %c0_i32 = arith.constant 0 : i32
    %c0_i32_0 = arith.constant 0 : i32
    %c0_i32_1 = arith.constant 0 : i32
    return %c0_i32, %c0_i32_0 : i32, i32
  }
  func.func @transform_4(%arg0: i32) -> (i32, i32) {
    %c0_i32 = arith.constant 0 : i32
    %c0_i32_0 = arith.constant 0 : i32
    %c0_i32_1 = arith.constant 0 : i32
    return %c0_i32, %c0_i32_0 : i32, i32
  }
  func.func @transform_5(%arg0: i32) -> (i32, i32) {
    %c0_i32 = arith.constant 0 : i32
    %c0_i32_0 = arith.constant 0 : i32
    %c0_i32_1 = arith.constant 0 : i32
    return %c0_i32, %c0_i32_0 : i32, i32
  }
  func.func @transform_6(%arg0: i32) -> (i32, i32) {
    %c0_i32 = arith.constant 0 : i32
    %c0_i32_0 = arith.constant 0 : i32
    %c0_i32_1 = arith.constant 0 : i32
    return %c0_i32, %c0_i32_0 : i32, i32
  }
  func.func @transform_7(%arg0: i32) -> (i32, i32) {
    %c0_i32 = arith.constant 0 : i32
    %c0_i32_0 = arith.constant 0 : i32
    return %arg0, %c0_i32 : i32, i32
  }
  func.func @transform_8(%arg0: i32) -> (i32, i32) {
    %c0_i32 = arith.constant 0 : i32
    %c0_i32_0 = arith.constant 0 : i32
    return %arg0, %c0_i32 : i32, i32
  }
  func.func @transform_9(%arg0: i32) -> (i32, i32) {
    %c0_i32 = arith.constant 0 : i32
    %c0_i32_0 = arith.constant 0 : i32
    return %arg0, %c0_i32 : i32, i32
  }
}

module attributes {stable_mosaic.version = 14 : i64} {
  func.func @_seq1_body(%arg0: i32, %arg1: memref<512x128xf32, #tpu.memory_space<vmem>>, %arg2: memref<512x128xf32, #tpu.memory_space<vmem>>, %arg3: memref<512x1xi32, #tpu.memory_space<vmem>>, %arg4: memref<512x64xf32, #tpu.memory_space<vmem>>, %arg5: memref<64x64xf32, #tpu.memory_space<vmem>>, %arg6: memref<64x64xf32, #tpu.memory_space<vmem>>, %arg7: memref<512x64xf32, #tpu.memory_space<vmem>>, %arg8: memref<512x64xf32, #tpu.memory_space<vmem>>, %arg9: memref<512x64xf32, #tpu.memory_space<vmem>>) attributes {dimension_semantics = [#tpu.dimension_semantics<arbitrary>], iteration_bounds = array<i64: 25>, scalar_prefetch = 0 : i64, scratch_operands = 0 : i64, tpu.core_type = #tpu.core_type<tc>, window_params = [{transform_indices = @transform_0, window_bounds = array<i64: 512, 128>}, {transform_indices = @transform_1, window_bounds = array<i64: 512, 128>}, {transform_indices = @transform_2, window_bounds = array<i64: 512, 1>}, {transform_indices = @transform_3, window_bounds = array<i64: 512, 64>}, {pipeline_mode = #tpu.pipeline_mode<synchronous>, transform_indices = @transform_4, window_bounds = array<i64: 64, 64>}, {pipeline_mode = #tpu.pipeline_mode<synchronous>, transform_indices = @transform_5, window_bounds = array<i64: 64, 64>}, {transform_indices = @transform_6, window_bounds = array<i64: 512, 64>}, {transform_indices = @transform_7, window_bounds = array<i64: 512, 64>}, {transform_indices = @transform_8, window_bounds = array<i64: 512, 64>}]} {
    %get3A = arith.constant 0 : index
    %get3A_0 = arith.constant 0 : index
    %get3A_1 = vector.load %arg1[%get3A, %get3A_0] : memref<512x128xf32, #tpu.memory_space<vmem>>, vector<512x128xf32>
    %get3A_2 = arith.constant 0 : index
    %get3A_3 = arith.constant 0 : index
    %get3A_4 = vector.load %arg2[%get3A_2, %get3A_3] : memref<512x128xf32, #tpu.memory_space<vmem>>, vector<512x128xf32>
    %slice3A = vector.extract_strided_slice %get3A_1 {offsets = [0, 0], sizes = [512, 64], strides = [1, 1]} : vector<512x128xf32> to vector<512x64xf32>
    %slice3A_5 = vector.extract_strided_slice %get3A_1 {offsets = [0, 64], sizes = [512, 64], strides = [1, 1]} : vector<512x128xf32> to vector<512x64xf32>
    %slice3A_6 = vector.extract_strided_slice %get3A_4 {offsets = [0, 0], sizes = [512, 64], strides = [1, 1]} : vector<512x128xf32> to vector<512x64xf32>
    %slice3A_7 = vector.extract_strided_slice %get3A_4 {offsets = [0, 64], sizes = [512, 64], strides = [1, 1]} : vector<512x128xf32> to vector<512x64xf32>
    %logistic3A = arith.negf %slice3A_6 : vector<512x64xf32>
    %logistic3A_8 = math.exp %logistic3A : vector<512x64xf32>
    %logistic3A_9 = arith.constant 1.000000e+00 : f32
    %logistic3A_10 = vector.broadcast %logistic3A_9 : f32 to vector<512x64xf32>
    %logistic3A_11 = arith.addf %logistic3A_10, %logistic3A_8 : vector<512x64xf32>
    %logistic3A_12 = arith.divf %logistic3A_10, %logistic3A_11 : vector<512x64xf32>
    %mul3A = arith.mulf %logistic3A_12, %slice3A : vector<512x64xf32>
    %sub3A = arith.constant 1.000000e+00 : f32
    %sub3A_13 = vector.broadcast %sub3A : f32 to vector<512x64xf32>
    %sub3A_14 = arith.subf %sub3A_13, %logistic3A_12 : vector<512x64xf32>
    %mul3A_15 = arith.mulf %sub3A_14, %slice3A_5 : vector<512x64xf32>
    %add3A = arith.addf %mul3A, %mul3A_15 : vector<512x64xf32>
    %add3A_16 = arith.addf %add3A, %slice3A_7 : vector<512x64xf32>
    %get3A_17 = arith.constant 0 : index
    %get3A_18 = arith.constant 0 : index
    %get3A_19 = vector.load %arg3[%get3A_17, %get3A_18] : memref<512x1xi32, #tpu.memory_space<vmem>>, vector<512x1xi32>
    %ne3A = arith.constant 0 : i32
    %ne3A_20 = vector.broadcast %ne3A : i32 to vector<512x1xi32>
    %ne3A_21 = arith.cmpi ne, %get3A_19, %ne3A_20 : vector<512x1xi32>
    %convert_element_type3A = arith.extui %ne3A_21 : vector<512x1xi1> to vector<512x1xi32>
    %convert_element_type3A_22 = arith.sitofp %convert_element_type3A : vector<512x1xi32> to vector<512x1xf32>
    %get3A_23 = arith.constant 0 : index
    %get3A_24 = arith.constant 0 : index
    %get3A_25 = vector.load %arg4[%get3A_23, %get3A_24] : memref<512x64xf32, #tpu.memory_space<vmem>>, vector<512x64xf32>
    %mul3A_26 = vector.broadcast %convert_element_type3A_22 : vector<512x1xf32> to vector<512x64xf32>
    %mul3A_27 = arith.mulf %get3A_25, %mul3A_26 : vector<512x64xf32>
    %add3A_28 = arith.addf %add3A_16, %mul3A_27 : vector<512x64xf32>
    %get3A_29 = arith.constant 0 : index
    %get3A_30 = arith.constant 0 : index
    %get3A_31 = vector.load %arg5[%get3A_29, %get3A_30] : memref<64x64xf32, #tpu.memory_space<vmem>>, vector<64x64xf32>
    %dot_general3A = arith.constant dense<0.000000e+00> : vector<512x64xf32>
    %dot_general3A_32 = tpu.matmul %add3A_28, %get3A_31, %dot_general3A {dimension_numbers = #tpu.dot_dimension_numbers<[1], [0], [0], [1], [0, 0, 1, 1], [], []>, transpose_lhs_hint = false} : vector<512x64xf32>, vector<64x64xf32>, vector<512x64xf32> -> vector<512x64xf32>
    %get3A_33 = arith.constant 0 : index
    %get3A_34 = arith.constant 0 : index
    %get3A_35 = vector.load %arg6[%get3A_33, %get3A_34] : memref<64x64xf32, #tpu.memory_space<vmem>>, vector<64x64xf32>
    %dot_general3A_36 = arith.constant dense<0.000000e+00> : vector<512x64xf32>
    %dot_general3A_37 = tpu.matmul %add3A_28, %get3A_35, %dot_general3A_36 {dimension_numbers = #tpu.dot_dimension_numbers<[1], [0], [0], [1], [0, 0, 1, 1], [], []>, transpose_lhs_hint = false} : vector<512x64xf32>, vector<64x64xf32>, vector<512x64xf32> -> vector<512x64xf32>
    %swap3A = arith.constant 0 : index
    %swap3A_38 = arith.constant 0 : index
    %swap3A_39 = vector.load %arg7[%swap3A, %swap3A_38] : memref<512x64xf32, #tpu.memory_space<vmem>>, vector<512x64xf32>
    tpu.vector_store %arg7[%swap3A, %swap3A_38], %add3A_16 {strides = array<i32>} : memref<512x64xf32, #tpu.memory_space<vmem>>, vector<512x64xf32>,
    %neg3A = arith.constant 0.000000e+00 : f32
    %neg3A_40 = vector.broadcast %neg3A : f32 to vector<512x64xf32>
    %neg3A_41 = arith.subf %neg3A_40, %dot_general3A_32 : vector<512x64xf32>
    %exp3A = math.exp %neg3A_41 : vector<512x64xf32>
    %swap3A_42 = arith.constant 0 : index
    %swap3A_43 = arith.constant 0 : index
    %swap3A_44 = vector.load %arg8[%swap3A_42, %swap3A_43] : memref<512x64xf32, #tpu.memory_space<vmem>>, vector<512x64xf32>
    tpu.vector_store %arg8[%swap3A_42, %swap3A_43], %exp3A {strides = array<i32>} : memref<512x64xf32, #tpu.memory_space<vmem>>, vector<512x64xf32>,
    %neg3A_45 = arith.constant 0.000000e+00 : f32
    %neg3A_46 = vector.broadcast %neg3A_45 : f32 to vector<512x64xf32>
    %neg3A_47 = arith.subf %neg3A_46, %dot_general3A_37 : vector<512x64xf32>
    %exp3A_48 = math.exp %neg3A_47 : vector<512x64xf32>
    %swap3A_49 = arith.constant 0 : index
    %swap3A_50 = arith.constant 0 : index
    %swap3A_51 = vector.load %arg9[%swap3A_49, %swap3A_50] : memref<512x64xf32, #tpu.memory_space<vmem>>, vector<512x64xf32>
    tpu.vector_store %arg9[%swap3A_49, %swap3A_50], %exp3A_48 {strides = array<i32>} : memref<512x64xf32, #tpu.memory_space<vmem>>, vector<512x64xf32>,
    return
  }
  func.func @transform_0(%arg0: i32) -> (i32, i32) {
    %c0_i32 = arith.constant 0 : i32
    %c0_i32_0 = arith.constant 0 : i32
    return %arg0, %c0_i32 : i32, i32
  }
  func.func @transform_1(%arg0: i32) -> (i32, i32) {
    %c0_i32 = arith.constant 0 : i32
    %c0_i32_0 = arith.constant 0 : i32
    return %arg0, %c0_i32 : i32, i32
  }
  func.func @transform_2(%arg0: i32) -> (i32, i32) {
    %c0_i32 = arith.constant 0 : i32
    %c0_i32_0 = arith.constant 0 : i32
    return %arg0, %c0_i32 : i32, i32
  }
  func.func @transform_3(%arg0: i32) -> (i32, i32) {
    %c0_i32 = arith.constant 0 : i32
    %c0_i32_0 = arith.constant 0 : i32
    return %arg0, %c0_i32 : i32, i32
  }
  func.func @transform_4(%arg0: i32) -> (i32, i32) {
    %c0_i32 = arith.constant 0 : i32
    %c0_i32_0 = arith.constant 0 : i32
    %c0_i32_1 = arith.constant 0 : i32
    return %c0_i32, %c0_i32_0 : i32, i32
  }
  func.func @transform_5(%arg0: i32) -> (i32, i32) {
    %c0_i32 = arith.constant 0 : i32
    %c0_i32_0 = arith.constant 0 : i32
    %c0_i32_1 = arith.constant 0 : i32
    return %c0_i32, %c0_i32_0 : i32, i32
  }
  func.func @transform_6(%arg0: i32) -> (i32, i32) {
    %c0_i32 = arith.constant 0 : i32
    %c0_i32_0 = arith.constant 0 : i32
    return %arg0, %c0_i32 : i32, i32
  }
  func.func @transform_7(%arg0: i32) -> (i32, i32) {
    %c0_i32 = arith.constant 0 : i32
    %c0_i32_0 = arith.constant 0 : i32
    return %arg0, %c0_i32 : i32, i32
  }
  func.func @transform_8(%arg0: i32) -> (i32, i32) {
    %c0_i32 = arith.constant 0 : i32
    %c0_i32_0 = arith.constant 0 : i32
    return %arg0, %c0_i32 : i32, i32
  }
}

module attributes {stable_mosaic.version = 14 : i64} {
  func.func @_seq2_body(%arg0: i32, %arg1: memref<8x50x64xf32, #tpu.memory_space<vmem>>, %arg2: memref<8x50x64xf32, #tpu.memory_space<vmem>>, %arg3: memref<8x3200xf32, #tpu.memory_space<vmem>>, %arg4: memref<64x1xf32, #tpu.memory_space<vmem>>, %arg5: memref<64x64xf32, #tpu.memory_space<vmem>>, %arg6: memref<1x64xf32, #tpu.memory_space<vmem>>, %arg7: memref<64x64xf32, #tpu.memory_space<vmem>>, %arg8: memref<1x64xf32, #tpu.memory_space<vmem>>, %arg9: memref<64x128xf32, #tpu.memory_space<vmem>>, %arg10: memref<1x128xf32, #tpu.memory_space<vmem>>, %arg11: memref<64x128xf32, #tpu.memory_space<vmem>>, %arg12: memref<1x128xf32, #tpu.memory_space<vmem>>, %arg13: memref<128x64xf32, #tpu.memory_space<vmem>>, %arg14: memref<1x64xf32, #tpu.memory_space<vmem>>, %arg15: memref<8x50x64xf32, #tpu.memory_space<vmem>>) attributes {dimension_semantics = [#tpu.dimension_semantics<arbitrary>], iteration_bounds = array<i64: 32>, scalar_prefetch = 0 : i64, scratch_operands = 0 : i64, tpu.core_type = #tpu.core_type<tc>, window_params = [{transform_indices = @transform_0, window_bounds = array<i64: 8, 50, 64>}, {transform_indices = @transform_1, window_bounds = array<i64: 8, 50, 64>}, {transform_indices = @transform_2, window_bounds = array<i64: 8, 3200>}, {pipeline_mode = #tpu.pipeline_mode<synchronous>, transform_indices = @transform_3, window_bounds = array<i64: 64, 1>}, {pipeline_mode = #tpu.pipeline_mode<synchronous>, transform_indices = @transform_4, window_bounds = array<i64: 64, 64>}, {pipeline_mode = #tpu.pipeline_mode<synchronous>, transform_indices = @transform_5, window_bounds = array<i64: 1, 64>}, {pipeline_mode = #tpu.pipeline_mode<synchronous>, transform_indices = @transform_6, window_bounds = array<i64: 64, 64>}, {pipeline_mode = #tpu.pipeline_mode<synchronous>, transform_indices = @transform_7, window_bounds = array<i64: 1, 64>}, {pipeline_mode = #tpu.pipeline_mode<synchronous>, transform_indices = @transform_8, window_bounds = array<i64: 64, 128>}, {pipeline_mode = #tpu.pipeline_mode<synchronous>, transform_indices = @transform_9, window_bounds = array<i64: 1, 128>}, {pipeline_mode = #tpu.pipeline_mode<synchronous>, transform_indices = @transform_10, window_bounds = array<i64: 64, 128>}, {pipeline_mode = #tpu.pipeline_mode<synchronous>, transform_indices = @transform_11, window_bounds = array<i64: 1, 128>}, {pipeline_mode = #tpu.pipeline_mode<synchronous>, transform_indices = @transform_12, window_bounds = array<i64: 128, 64>}, {pipeline_mode = #tpu.pipeline_mode<synchronous>, transform_indices = @transform_13, window_bounds = array<i64: 1, 64>}, {transform_indices = @transform_14, window_bounds = array<i64: 8, 50, 64>}]} {
    %iota3A = tpu.iota {dimensions = array<i32: 0>} : vector<400x50xi32>
    %iota3A_0 = tpu.iota {dimensions = array<i32: 1>} : vector<400x50xi32>
    %jit3A = arith.constant 50 : i32
    %eq3A = arith.constant 0 : i32
    %eq3A_1 = arith.cmpi eq, %jit3A, %eq3A : i32
    %jit3A_2 = arith.constant 1 : i32
    %select_n3A = arith.select %eq3A_1, %jit3A_2, %jit3A : i32
    %rem3A = vector.broadcast %select_n3A : i32 to vector<400x50xi32>
    %rem3A_3 = arith.remsi %iota3A, %rem3A : vector<400x50xi32>
    %ne3A = arith.constant 0 : i32
    %ne3A_4 = vector.broadcast %ne3A : i32 to vector<400x50xi32>
    %ne3A_5 = arith.cmpi ne, %rem3A_3, %ne3A_4 : vector<400x50xi32>
    %lt3A = arith.constant 0 : i32
    %lt3A_6 = vector.broadcast %lt3A : i32 to vector<400x50xi32>
    %lt3A_7 = arith.cmpi slt, %rem3A_3, %lt3A_6 : vector<400x50xi32>
    %lt3A_8 = arith.constant 0 : i32
    %lt3A_9 = arith.cmpi slt, %select_n3A, %lt3A_8 : i32
    %ne3A_10 = vector.broadcast %lt3A_9 : i1 to vector<400x50xi1>
    %ne3A_11 = vector.broadcast %ne3A_10 : vector<400x50xi1> to vector<400x50xi1>
    %ne3A_12 = arith.xori %lt3A_7, %ne3A_11 : vector<400x50xi1>
    %and3A = arith.andi %ne3A_12, %ne3A_5 : vector<400x50xi1>
    %add3A = vector.broadcast %select_n3A : i32 to vector<400x50xi32>
    %add3A_13 = arith.addi %rem3A_3, %add3A : vector<400x50xi32>
    %select_n3A_14 = arith.select %and3A, %add3A_13, %rem3A_3 : vector<400x50xi1>, vector<400x50xi32>
    %le3A = arith.cmpi sle, %iota3A_0, %select_n3A_14 : vector<400x50xi32>
    %iota3A_15 = tpu.iota {dimensions = array<i32: 0>} : vector<3200x50xi32>
    %iota3A_16 = tpu.iota {dimensions = array<i32: 1>} : vector<3200x50xi32>
    %get3A = arith.constant 0 : index
    %get3A_17 = arith.constant 0 : index
    %get3A_18 = vector.load %arg4[%get3A, %get3A_17] : memref<64x1xf32, #tpu.memory_space<vmem>>, vector<64x1xf32>
    %tile3A = tpu.concatenate %get3A_18, %get3A_18, %get3A_18, %get3A_18, %get3A_18, %get3A_18, %get3A_18, %get3A_18, %get3A_18, %get3A_18, %get3A_18, %get3A_18, %get3A_18, %get3A_18, %get3A_18, %get3A_18, %get3A_18, %get3A_18, %get3A_18, %get3A_18, %get3A_18, %get3A_18, %get3A_18, %get3A_18, %get3A_18, %get3A_18, %get3A_18, %get3A_18, %get3A_18, %get3A_18, %get3A_18, %get3A_18, %get3A_18, %get3A_18, %get3A_18, %get3A_18, %get3A_18, %get3A_18, %get3A_18, %get3A_18, %get3A_18, %get3A_18, %get3A_18, %get3A_18, %get3A_18, %get3A_18, %get3A_18, %get3A_18, %get3A_18, %get3A_18 in 0 : vector<64x1xf32>, vector<64x1xf32>, vector<64x1xf32>, vector<64x1xf32>, vector<64x1xf32>, vector<64x1xf32>, vector<64x1xf32>, vector<64x1xf32>, vector<64x1xf32>, vector<64x1xf32>, vector<64x1xf32>, vector<64x1xf32>, vector<64x1xf32>, vector<64x1xf32>, vector<64x1xf32>, vector<64x1xf32>, vector<64x1xf32>, vector<64x1xf32>, vector<64x1xf32>, vector<64x1xf32>, vector<64x1xf32>, vector<64x1xf32>, vector<64x1xf32>, vector<64x1xf32>, vector<64x1xf32>, vector<64x1xf32>, vector<64x1xf32>, vector<64x1xf32>, vector<64x1xf32>, vector<64x1xf32>, vector<64x1xf32>, vector<64x1xf32>, vector<64x1xf32>, vector<64x1xf32>, vector<64x1xf32>, vector<64x1xf32>, vector<64x1xf32>, vector<64x1xf32>, vector<64x1xf32>, vector<64x1xf32>, vector<64x1xf32>, vector<64x1xf32>, vector<64x1xf32>, vector<64x1xf32>, vector<64x1xf32>, vector<64x1xf32>, vector<64x1xf32>, vector<64x1xf32>, vector<64x1xf32>, vector<64x1xf32> -> vector<3200x1xf32>
    %jit3A_19 = arith.constant 64 : i32
    %div3A = vector.broadcast %jit3A_19 : i32 to vector<3200x50xi32>
    %div3A_20 = arith.divsi %iota3A_15, %div3A : vector<3200x50xi32>
    %sign3A = arith.constant 0 : i32
    %sign3A_21 = vector.broadcast %sign3A : i32 to vector<3200x50xi32>
    %sign3A_22 = arith.cmpi sgt, %iota3A_15, %sign3A_21 : vector<3200x50xi32>
    %sign3A_23 = arith.extui %sign3A_22 : vector<3200x50xi1> to vector<3200x50xi32>
    %sign3A_24 = arith.constant 0 : i32
    %sign3A_25 = vector.broadcast %sign3A_24 : i32 to vector<3200x50xi32>
    %sign3A_26 = arith.cmpi slt, %iota3A_15, %sign3A_25 : vector<3200x50xi32>
    %sign3A_27 = arith.extui %sign3A_26 : vector<3200x50xi1> to vector<3200x50xi32>
    %sign3A_28 = arith.subi %sign3A_23, %sign3A_27 : vector<3200x50xi32>
    %sign3A_29 = arith.constant 0 : i32
    %sign3A_30 = arith.cmpi sgt, %jit3A_19, %sign3A_29 : i32
    %sign3A_31 = arith.extui %sign3A_30 : i1 to i32
    %sign3A_32 = arith.constant 0 : i32
    %sign3A_33 = arith.cmpi slt, %jit3A_19, %sign3A_32 : i32
    %sign3A_34 = arith.extui %sign3A_33 : i1 to i32
    %sign3A_35 = arith.subi %sign3A_31, %sign3A_34 : i32
    %ne3A_36 = vector.broadcast %sign3A_35 : i32 to vector<3200x50xi32>
    %ne3A_37 = arith.cmpi ne, %sign3A_28, %ne3A_36 : vector<3200x50xi32>
    %rem3A_38 = vector.broadcast %jit3A_19 : i32 to vector<3200x50xi32>
    %rem3A_39 = arith.remsi %iota3A_15, %rem3A_38 : vector<3200x50xi32>
    %ne3A_40 = arith.constant 0 : i32
    %ne3A_41 = vector.broadcast %ne3A_40 : i32 to vector<3200x50xi32>
    %ne3A_42 = arith.cmpi ne, %rem3A_39, %ne3A_41 : vector<3200x50xi32>
    %and3A_43 = arith.andi %ne3A_37, %ne3A_42 : vector<3200x50xi1>
    %sub3A = arith.constant 1 : i32
    %sub3A_44 = vector.broadcast %sub3A : i32 to vector<3200x50xi32>
    %sub3A_45 = arith.subi %div3A_20, %sub3A_44 : vector<3200x50xi32>
    %select_n3A_46 = arith.select %and3A_43, %sub3A_45, %div3A_20 : vector<3200x50xi1>, vector<3200x50xi32>
    %eq3A_47 = arith.cmpi eq, %select_n3A_46, %iota3A_16 : vector<3200x50xi32>
    %jit3A_48 = arith.constant 1.000000e+00 : f32
    %jit3A_49 = arith.constant 0.000000e+00 : f32
    %broadcast_in_dim3A = vector.broadcast %jit3A_48 : f32 to vector<3200x50xf32>
    %broadcast_in_dim3A_50 = vector.broadcast %jit3A_49 : f32 to vector<3200x50xf32>
    %select_n3A_51 = arith.select %eq3A_47, %broadcast_in_dim3A, %broadcast_in_dim3A_50 : vector<3200x50xi1>, vector<3200x50xf32>
    %mul3A = vector.broadcast %tile3A : vector<3200x1xf32> to vector<3200x50xf32>
    %mul3A_52 = arith.mulf %select_n3A_51, %mul3A : vector<3200x50xf32>
    %iota3A_53 = tpu.iota {dimensions = array<i32: 0>} : vector<64x3200xi32>
    %iota3A_54 = tpu.iota {dimensions = array<i32: 1>} : vector<64x3200xi32>
    %jit3A_55 = arith.constant 64 : i32
    %eq3A_56 = arith.constant 0 : i32
    %eq3A_57 = arith.cmpi eq, %jit3A_55, %eq3A_56 : i32
    %jit3A_58 = arith.constant 1 : i32
    %select_n3A_59 = arith.select %eq3A_57, %jit3A_58, %jit3A_55 : i32
    %rem3A_60 = vector.broadcast %select_n3A_59 : i32 to vector<64x3200xi32>
    %rem3A_61 = arith.remsi %iota3A_54, %rem3A_60 : vector<64x3200xi32>
    %ne3A_62 = arith.constant 0 : i32
    %ne3A_63 = vector.broadcast %ne3A_62 : i32 to vector<64x3200xi32>
    %ne3A_64 = arith.cmpi ne, %rem3A_61, %ne3A_63 : vector<64x3200xi32>
    %lt3A_65 = arith.constant 0 : i32
    %lt3A_66 = vector.broadcast %lt3A_65 : i32 to vector<64x3200xi32>
    %lt3A_67 = arith.cmpi slt, %rem3A_61, %lt3A_66 : vector<64x3200xi32>
    %lt3A_68 = arith.constant 0 : i32
    %lt3A_69 = arith.cmpi slt, %select_n3A_59, %lt3A_68 : i32
    %ne3A_70 = vector.broadcast %lt3A_69 : i1 to vector<64x3200xi1>
    %ne3A_71 = vector.broadcast %ne3A_70 : vector<64x3200xi1> to vector<64x3200xi1>
    %ne3A_72 = arith.xori %lt3A_67, %ne3A_71 : vector<64x3200xi1>
    %and3A_73 = arith.andi %ne3A_72, %ne3A_64 : vector<64x3200xi1>
    %add3A_74 = vector.broadcast %select_n3A_59 : i32 to vector<64x3200xi32>
    %add3A_75 = arith.addi %rem3A_61, %add3A_74 : vector<64x3200xi32>
    %select_n3A_76 = arith.select %and3A_73, %add3A_75, %rem3A_61 : vector<64x3200xi1>, vector<64x3200xi32>
    %eq3A_77 = arith.cmpi eq, %select_n3A_76, %iota3A_53 : vector<64x3200xi32>
    %jit3A_78 = arith.constant 1.000000e+00 : f32
    %jit3A_79 = arith.constant 0.000000e+00 : f32
    %broadcast_in_dim3A_80 = vector.broadcast %jit3A_78 : f32 to vector<64x3200xf32>
    %broadcast_in_dim3A_81 = vector.broadcast %jit3A_79 : f32 to vector<64x3200xf32>
    %select_n3A_82 = arith.select %eq3A_77, %broadcast_in_dim3A_80, %broadcast_in_dim3A_81 : vector<64x3200xi1>, vector<64x3200xf32>
    %get3A_83 = arith.constant 0 : index
    %get3A_84 = arith.constant 0 : index
    %get3A_85 = arith.constant 0 : index
    %get3A_86 = vector.load %arg2[%get3A_83, %get3A_84, %get3A_85] : memref<8x50x64xf32, #tpu.memory_space<vmem>>, vector<1x50x64xf32>
    %get3A_87 = vector.shape_cast %get3A_86 : vector<1x50x64xf32> to vector<50x64xf32>
    %dot_general3A = arith.constant dense<0.000000e+00> : vector<50x3200xf32>
    %dot_general3A_88 = tpu.matmul %get3A_87, %select_n3A_82, %dot_general3A {dimension_numbers = #tpu.dot_dimension_numbers<[1], [0], [0], [1], [0, 0, 1, 1], [], []>, transpose_lhs_hint = false} : vector<50x64xf32>, vector<64x3200xf32>, vector<50x3200xf32> -> vector<50x3200xf32>
    %get3A_89 = arith.constant 0 : index
    %get3A_90 = arith.constant 0 : index
    %get3A_91 = vector.load %arg3[%get3A_89, %get3A_90] : memref<8x3200xf32, #tpu.memory_space<vmem>>, vector<1x3200xf32>
    %broadcast_in_dim3A_92 = vector.shape_cast %get3A_91 : vector<1x3200xf32> to vector<1x3200xf32>
    %broadcast_in_dim3A_93 = vector.broadcast %broadcast_in_dim3A_92 : vector<1x3200xf32> to vector<50x3200xf32>
    %mul3A_94 = arith.mulf %dot_general3A_88, %broadcast_in_dim3A_93 : vector<50x3200xf32>
    %add3A_95 = arith.constant 1.000000e+00 : f32
    %add3A_96 = vector.broadcast %add3A_95 : f32 to vector<50x3200xf32>
    %add3A_97 = arith.addf %add3A_96, %mul3A_94 : vector<50x3200xf32>
    %div3A_98 = arith.constant 1.000000e+00 : f32
    %div3A_99 = vector.broadcast %div3A_98 : f32 to vector<50x3200xf32>
    %div3A_100 = arith.divf %div3A_99, %add3A_97 : vector<50x3200xf32>
    %get3A_101 = arith.constant 1 : index
    %get3A_102 = arith.constant 0 : index
    %get3A_103 = arith.constant 0 : index
    %get3A_104 = vector.load %arg2[%get3A_101, %get3A_102, %get3A_103] : memref<8x50x64xf32, #tpu.memory_space<vmem>>, vector<1x50x64xf32>
    %get3A_105 = vector.shape_cast %get3A_104 : vector<1x50x64xf32> to vector<50x64xf32>
    %dot_general3A_106 = arith.constant dense<0.000000e+00> : vector<50x3200xf32>
    %dot_general3A_107 = tpu.matmul %get3A_105, %select_n3A_82, %dot_general3A_106 {dimension_numbers = #tpu.dot_dimension_numbers<[1], [0], [0], [1], [0, 0, 1, 1], [], []>, transpose_lhs_hint = false} : vector<50x64xf32>, vector<64x3200xf32>, vector<50x3200xf32> -> vector<50x3200xf32>
    %get3A_108 = arith.constant 1 : index
    %get3A_109 = arith.constant 0 : index
    %get3A_110 = vector.load %arg3[%get3A_108, %get3A_109] : memref<8x3200xf32, #tpu.memory_space<vmem>>, vector<1x3200xf32>
    %broadcast_in_dim3A_111 = vector.shape_cast %get3A_110 : vector<1x3200xf32> to vector<1x3200xf32>
    %broadcast_in_dim3A_112 = vector.broadcast %broadcast_in_dim3A_111 : vector<1x3200xf32> to vector<50x3200xf32>
    %mul3A_113 = arith.mulf %dot_general3A_107, %broadcast_in_dim3A_112 : vector<50x3200xf32>
    %add3A_114 = arith.constant 1.000000e+00 : f32
    %add3A_115 = vector.broadcast %add3A_114 : f32 to vector<50x3200xf32>
    %add3A_116 = arith.addf %add3A_115, %mul3A_113 : vector<50x3200xf32>
    %div3A_117 = arith.constant 1.000000e+00 : f32
    %div3A_118 = vector.broadcast %div3A_117 : f32 to vector<50x3200xf32>
    %div3A_119 = arith.divf %div3A_118, %add3A_116 : vector<50x3200xf32>
    %get3A_120 = arith.constant 2 : index
    %get3A_121 = arith.constant 0 : index
    %get3A_122 = arith.constant 0 : index
    %get3A_123 = vector.load %arg2[%get3A_120, %get3A_121, %get3A_122] : memref<8x50x64xf32, #tpu.memory_space<vmem>>, vector<1x50x64xf32>
    %get3A_124 = vector.shape_cast %get3A_123 : vector<1x50x64xf32> to vector<50x64xf32>
    %dot_general3A_125 = arith.constant dense<0.000000e+00> : vector<50x3200xf32>
    %dot_general3A_126 = tpu.matmul %get3A_124, %select_n3A_82, %dot_general3A_125 {dimension_numbers = #tpu.dot_dimension_numbers<[1], [0], [0], [1], [0, 0, 1, 1], [], []>, transpose_lhs_hint = false} : vector<50x64xf32>, vector<64x3200xf32>, vector<50x3200xf32> -> vector<50x3200xf32>
    %get3A_127 = arith.constant 2 : index
    %get3A_128 = arith.constant 0 : index
    %get3A_129 = vector.load %arg3[%get3A_127, %get3A_128] : memref<8x3200xf32, #tpu.memory_space<vmem>>, vector<1x3200xf32>
    %broadcast_in_dim3A_130 = vector.shape_cast %get3A_129 : vector<1x3200xf32> to vector<1x3200xf32>
    %broadcast_in_dim3A_131 = vector.broadcast %broadcast_in_dim3A_130 : vector<1x3200xf32> to vector<50x3200xf32>
    %mul3A_132 = arith.mulf %dot_general3A_126, %broadcast_in_dim3A_131 : vector<50x3200xf32>
    %add3A_133 = arith.constant 1.000000e+00 : f32
    %add3A_134 = vector.broadcast %add3A_133 : f32 to vector<50x3200xf32>
    %add3A_135 = arith.addf %add3A_134, %mul3A_132 : vector<50x3200xf32>
    %div3A_136 = arith.constant 1.000000e+00 : f32
    %div3A_137 = vector.broadcast %div3A_136 : f32 to vector<50x3200xf32>
    %div3A_138 = arith.divf %div3A_137, %add3A_135 : vector<50x3200xf32>
    %get3A_139 = arith.constant 3 : index
    %get3A_140 = arith.constant 0 : index
    %get3A_141 = arith.constant 0 : index
    %get3A_142 = vector.load %arg2[%get3A_139, %get3A_140, %get3A_141] : memref<8x50x64xf32, #tpu.memory_space<vmem>>, vector<1x50x64xf32>
    %get3A_143 = vector.shape_cast %get3A_142 : vector<1x50x64xf32> to vector<50x64xf32>
    %dot_general3A_144 = arith.constant dense<0.000000e+00> : vector<50x3200xf32>
    %dot_general3A_145 = tpu.matmul %get3A_143, %select_n3A_82, %dot_general3A_144 {dimension_numbers = #tpu.dot_dimension_numbers<[1], [0], [0], [1], [0, 0, 1, 1], [], []>, transpose_lhs_hint = false} : vector<50x64xf32>, vector<64x3200xf32>, vector<50x3200xf32> -> vector<50x3200xf32>
    %get3A_146 = arith.constant 3 : index
    %get3A_147 = arith.constant 0 : index
    %get3A_148 = vector.load %arg3[%get3A_146, %get3A_147] : memref<8x3200xf32, #tpu.memory_space<vmem>>, vector<1x3200xf32>
    %broadcast_in_dim3A_149 = vector.shape_cast %get3A_148 : vector<1x3200xf32> to vector<1x3200xf32>
    %broadcast_in_dim3A_150 = vector.broadcast %broadcast_in_dim3A_149 : vector<1x3200xf32> to vector<50x3200xf32>
    %mul3A_151 = arith.mulf %dot_general3A_145, %broadcast_in_dim3A_150 : vector<50x3200xf32>
    %add3A_152 = arith.constant 1.000000e+00 : f32
    %add3A_153 = vector.broadcast %add3A_152 : f32 to vector<50x3200xf32>
    %add3A_154 = arith.addf %add3A_153, %mul3A_151 : vector<50x3200xf32>
    %div3A_155 = arith.constant 1.000000e+00 : f32
    %div3A_156 = vector.broadcast %div3A_155 : f32 to vector<50x3200xf32>
    %div3A_157 = arith.divf %div3A_156, %add3A_154 : vector<50x3200xf32>
    %get3A_158 = arith.constant 4 : index
    %get3A_159 = arith.constant 0 : index
    %get3A_160 = arith.constant 0 : index
    %get3A_161 = vector.load %arg2[%get3A_158, %get3A_159, %get3A_160] : memref<8x50x64xf32, #tpu.memory_space<vmem>>, vector<1x50x64xf32>
    %get3A_162 = vector.shape_cast %get3A_161 : vector<1x50x64xf32> to vector<50x64xf32>
    %dot_general3A_163 = arith.constant dense<0.000000e+00> : vector<50x3200xf32>
    %dot_general3A_164 = tpu.matmul %get3A_162, %select_n3A_82, %dot_general3A_163 {dimension_numbers = #tpu.dot_dimension_numbers<[1], [0], [0], [1], [0, 0, 1, 1], [], []>, transpose_lhs_hint = false} : vector<50x64xf32>, vector<64x3200xf32>, vector<50x3200xf32> -> vector<50x3200xf32>
    %get3A_165 = arith.constant 4 : index
    %get3A_166 = arith.constant 0 : index
    %get3A_167 = vector.load %arg3[%get3A_165, %get3A_166] : memref<8x3200xf32, #tpu.memory_space<vmem>>, vector<1x3200xf32>
    %broadcast_in_dim3A_168 = vector.shape_cast %get3A_167 : vector<1x3200xf32> to vector<1x3200xf32>
    %broadcast_in_dim3A_169 = vector.broadcast %broadcast_in_dim3A_168 : vector<1x3200xf32> to vector<50x3200xf32>
    %mul3A_170 = arith.mulf %dot_general3A_164, %broadcast_in_dim3A_169 : vector<50x3200xf32>
    %add3A_171 = arith.constant 1.000000e+00 : f32
    %add3A_172 = vector.broadcast %add3A_171 : f32 to vector<50x3200xf32>
    %add3A_173 = arith.addf %add3A_172, %mul3A_170 : vector<50x3200xf32>
    %div3A_174 = arith.constant 1.000000e+00 : f32
    %div3A_175 = vector.broadcast %div3A_174 : f32 to vector<50x3200xf32>
    %div3A_176 = arith.divf %div3A_175, %add3A_173 : vector<50x3200xf32>
    %get3A_177 = arith.constant 5 : index
    %get3A_178 = arith.constant 0 : index
    %get3A_179 = arith.constant 0 : index
    %get3A_180 = vector.load %arg2[%get3A_177, %get3A_178, %get3A_179] : memref<8x50x64xf32, #tpu.memory_space<vmem>>, vector<1x50x64xf32>
    %get3A_181 = vector.shape_cast %get3A_180 : vector<1x50x64xf32> to vector<50x64xf32>
    %dot_general3A_182 = arith.constant dense<0.000000e+00> : vector<50x3200xf32>
    %dot_general3A_183 = tpu.matmul %get3A_181, %select_n3A_82, %dot_general3A_182 {dimension_numbers = #tpu.dot_dimension_numbers<[1], [0], [0], [1], [0, 0, 1, 1], [], []>, transpose_lhs_hint = false} : vector<50x64xf32>, vector<64x3200xf32>, vector<50x3200xf32> -> vector<50x3200xf32>
    %get3A_184 = arith.constant 5 : index
    %get3A_185 = arith.constant 0 : index
    %get3A_186 = vector.load %arg3[%get3A_184, %get3A_185] : memref<8x3200xf32, #tpu.memory_space<vmem>>, vector<1x3200xf32>
    %broadcast_in_dim3A_187 = vector.shape_cast %get3A_186 : vector<1x3200xf32> to vector<1x3200xf32>
    %broadcast_in_dim3A_188 = vector.broadcast %broadcast_in_dim3A_187 : vector<1x3200xf32> to vector<50x3200xf32>
    %mul3A_189 = arith.mulf %dot_general3A_183, %broadcast_in_dim3A_188 : vector<50x3200xf32>
    %add3A_190 = arith.constant 1.000000e+00 : f32
    %add3A_191 = vector.broadcast %add3A_190 : f32 to vector<50x3200xf32>
    %add3A_192 = arith.addf %add3A_191, %mul3A_189 : vector<50x3200xf32>
    %div3A_193 = arith.constant 1.000000e+00 : f32
    %div3A_194 = vector.broadcast %div3A_193 : f32 to vector<50x3200xf32>
    %div3A_195 = arith.divf %div3A_194, %add3A_192 : vector<50x3200xf32>
    %get3A_196 = arith.constant 6 : index
    %get3A_197 = arith.constant 0 : index
    %get3A_198 = arith.constant 0 : index
    %get3A_199 = vector.load %arg2[%get3A_196, %get3A_197, %get3A_198] : memref<8x50x64xf32, #tpu.memory_space<vmem>>, vector<1x50x64xf32>
    %get3A_200 = vector.shape_cast %get3A_199 : vector<1x50x64xf32> to vector<50x64xf32>
    %dot_general3A_201 = arith.constant dense<0.000000e+00> : vector<50x3200xf32>
    %dot_general3A_202 = tpu.matmul %get3A_200, %select_n3A_82, %dot_general3A_201 {dimension_numbers = #tpu.dot_dimension_numbers<[1], [0], [0], [1], [0, 0, 1, 1], [], []>, transpose_lhs_hint = false} : vector<50x64xf32>, vector<64x3200xf32>, vector<50x3200xf32> -> vector<50x3200xf32>
    %get3A_203 = arith.constant 6 : index
    %get3A_204 = arith.constant 0 : index
    %get3A_205 = vector.load %arg3[%get3A_203, %get3A_204] : memref<8x3200xf32, #tpu.memory_space<vmem>>, vector<1x3200xf32>
    %broadcast_in_dim3A_206 = vector.shape_cast %get3A_205 : vector<1x3200xf32> to vector<1x3200xf32>
    %broadcast_in_dim3A_207 = vector.broadcast %broadcast_in_dim3A_206 : vector<1x3200xf32> to vector<50x3200xf32>
    %mul3A_208 = arith.mulf %dot_general3A_202, %broadcast_in_dim3A_207 : vector<50x3200xf32>
    %add3A_209 = arith.constant 1.000000e+00 : f32
    %add3A_210 = vector.broadcast %add3A_209 : f32 to vector<50x3200xf32>
    %add3A_211 = arith.addf %add3A_210, %mul3A_208 : vector<50x3200xf32>
    %div3A_212 = arith.constant 1.000000e+00 : f32
    %div3A_213 = vector.broadcast %div3A_212 : f32 to vector<50x3200xf32>
    %div3A_214 = arith.divf %div3A_213, %add3A_211 : vector<50x3200xf32>
    %get3A_215 = arith.constant 7 : index
    %get3A_216 = arith.constant 0 : index
    %get3A_217 = arith.constant 0 : index
    %get3A_218 = vector.load %arg2[%get3A_215, %get3A_216, %get3A_217] : memref<8x50x64xf32, #tpu.memory_space<vmem>>, vector<1x50x64xf32>
    %get3A_219 = vector.shape_cast %get3A_218 : vector<1x50x64xf32> to vector<50x64xf32>
    %dot_general3A_220 = arith.constant dense<0.000000e+00> : vector<50x3200xf32>
    %dot_general3A_221 = tpu.matmul %get3A_219, %select_n3A_82, %dot_general3A_220 {dimension_numbers = #tpu.dot_dimension_numbers<[1], [0], [0], [1], [0, 0, 1, 1], [], []>, transpose_lhs_hint = false} : vector<50x64xf32>, vector<64x3200xf32>, vector<50x3200xf32> -> vector<50x3200xf32>
    %get3A_222 = arith.constant 7 : index
    %get3A_223 = arith.constant 0 : index
    %get3A_224 = vector.load %arg3[%get3A_222, %get3A_223] : memref<8x3200xf32, #tpu.memory_space<vmem>>, vector<1x3200xf32>
    %broadcast_in_dim3A_225 = vector.shape_cast %get3A_224 : vector<1x3200xf32> to vector<1x3200xf32>
    %broadcast_in_dim3A_226 = vector.broadcast %broadcast_in_dim3A_225 : vector<1x3200xf32> to vector<50x3200xf32>
    %mul3A_227 = arith.mulf %dot_general3A_221, %broadcast_in_dim3A_226 : vector<50x3200xf32>
    %add3A_228 = arith.constant 1.000000e+00 : f32
    %add3A_229 = vector.broadcast %add3A_228 : f32 to vector<50x3200xf32>
    %add3A_230 = arith.addf %add3A_229, %mul3A_227 : vector<50x3200xf32>
    %div3A_231 = arith.constant 1.000000e+00 : f32
    %div3A_232 = vector.broadcast %div3A_231 : f32 to vector<50x3200xf32>
    %div3A_233 = arith.divf %div3A_232, %add3A_230 : vector<50x3200xf32>
    %concatenate3A = tpu.concatenate %div3A_100, %div3A_119, %div3A_138, %div3A_157, %div3A_176, %div3A_195, %div3A_214, %div3A_233 in 0 : vector<50x3200xf32>, vector<50x3200xf32>, vector<50x3200xf32>, vector<50x3200xf32>, vector<50x3200xf32>, vector<50x3200xf32>, vector<50x3200xf32>, vector<50x3200xf32> -> vector<400x3200xf32>
    %dot_general3A_234 = arith.constant dense<0.000000e+00> : vector<400x50xf32>
    %dot_general3A_235 = tpu.matmul %concatenate3A, %mul3A_52, %dot_general3A_234 {dimension_numbers = #tpu.dot_dimension_numbers<[1], [0], [0], [1], [0, 0, 1, 1], [], []>, transpose_lhs_hint = false} : vector<400x3200xf32>, vector<3200x50xf32>, vector<400x50xf32> -> vector<400x50xf32>
    %jit3A_236 = arith.constant 0.000000e+00 : f32
    %broadcast_in_dim3A_237 = vector.broadcast %jit3A_236 : f32 to vector<400x50xf32>
    %select_n3A_238 = arith.select %le3A, %dot_general3A_235, %broadcast_in_dim3A_237 : vector<400x50xi1>, vector<400x50xf32>
    %slice3A = vector.extract_strided_slice %select_n3A_238 {offsets = [0, 0], sizes = [50, 50], strides = [1, 1]} : vector<400x50xf32> to vector<50x50xf32>
    %get3A_239 = arith.constant 0 : index
    %get3A_240 = arith.constant 0 : index
    %get3A_241 = arith.constant 0 : index
    %get3A_242 = vector.load %arg1[%get3A_239, %get3A_240, %get3A_241] : memref<8x50x64xf32, #tpu.memory_space<vmem>>, vector<1x50x64xf32>
    %get3A_243 = vector.shape_cast %get3A_242 : vector<1x50x64xf32> to vector<50x64xf32>
    %dot_general3A_244 = arith.constant dense<0.000000e+00> : vector<50x64xf32>
    %dot_general3A_245 = tpu.matmul %slice3A, %get3A_243, %dot_general3A_244 {dimension_numbers = #tpu.dot_dimension_numbers<[1], [0], [0], [1], [0, 0, 1, 1], [], []>, transpose_lhs_hint = false} : vector<50x50xf32>, vector<50x64xf32>, vector<50x64xf32> -> vector<50x64xf32>
    %slice3A_246 = vector.extract_strided_slice %select_n3A_238 {offsets = [50, 0], sizes = [50, 50], strides = [1, 1]} : vector<400x50xf32> to vector<50x50xf32>
    %get3A_247 = arith.constant 1 : index
    %get3A_248 = arith.constant 0 : index
    %get3A_249 = arith.constant 0 : index
    %get3A_250 = vector.load %arg1[%get3A_247, %get3A_248, %get3A_249] : memref<8x50x64xf32, #tpu.memory_space<vmem>>, vector<1x50x64xf32>
    %get3A_251 = vector.shape_cast %get3A_250 : vector<1x50x64xf32> to vector<50x64xf32>
    %dot_general3A_252 = arith.constant dense<0.000000e+00> : vector<50x64xf32>
    %dot_general3A_253 = tpu.matmul %slice3A_246, %get3A_251, %dot_general3A_252 {dimension_numbers = #tpu.dot_dimension_numbers<[1], [0], [0], [1], [0, 0, 1, 1], [], []>, transpose_lhs_hint = false} : vector<50x50xf32>, vector<50x64xf32>, vector<50x64xf32> -> vector<50x64xf32>
    %slice3A_254 = vector.extract_strided_slice %select_n3A_238 {offsets = [100, 0], sizes = [50, 50], strides = [1, 1]} : vector<400x50xf32> to vector<50x50xf32>
    %get3A_255 = arith.constant 2 : index
    %get3A_256 = arith.constant 0 : index
    %get3A_257 = arith.constant 0 : index
    %get3A_258 = vector.load %arg1[%get3A_255, %get3A_256, %get3A_257] : memref<8x50x64xf32, #tpu.memory_space<vmem>>, vector<1x50x64xf32>
    %get3A_259 = vector.shape_cast %get3A_258 : vector<1x50x64xf32> to vector<50x64xf32>
    %dot_general3A_260 = arith.constant dense<0.000000e+00> : vector<50x64xf32>
    %dot_general3A_261 = tpu.matmul %slice3A_254, %get3A_259, %dot_general3A_260 {dimension_numbers = #tpu.dot_dimension_numbers<[1], [0], [0], [1], [0, 0, 1, 1], [], []>, transpose_lhs_hint = false} : vector<50x50xf32>, vector<50x64xf32>, vector<50x64xf32> -> vector<50x64xf32>
    %slice3A_262 = vector.extract_strided_slice %select_n3A_238 {offsets = [150, 0], sizes = [50, 50], strides = [1, 1]} : vector<400x50xf32> to vector<50x50xf32>
    %get3A_263 = arith.constant 3 : index
    %get3A_264 = arith.constant 0 : index
    %get3A_265 = arith.constant 0 : index
    %get3A_266 = vector.load %arg1[%get3A_263, %get3A_264, %get3A_265] : memref<8x50x64xf32, #tpu.memory_space<vmem>>, vector<1x50x64xf32>
    %get3A_267 = vector.shape_cast %get3A_266 : vector<1x50x64xf32> to vector<50x64xf32>
    %dot_general3A_268 = arith.constant dense<0.000000e+00> : vector<50x64xf32>
    %dot_general3A_269 = tpu.matmul %slice3A_262, %get3A_267, %dot_general3A_268 {dimension_numbers = #tpu.dot_dimension_numbers<[1], [0], [0], [1], [0, 0, 1, 1], [], []>, transpose_lhs_hint = false} : vector<50x50xf32>, vector<50x64xf32>, vector<50x64xf32> -> vector<50x64xf32>
    %slice3A_270 = vector.extract_strided_slice %select_n3A_238 {offsets = [200, 0], sizes = [50, 50], strides = [1, 1]} : vector<400x50xf32> to vector<50x50xf32>
    %get3A_271 = arith.constant 4 : index
    %get3A_272 = arith.constant 0 : index
    %get3A_273 = arith.constant 0 : index
    %get3A_274 = vector.load %arg1[%get3A_271, %get3A_272, %get3A_273] : memref<8x50x64xf32, #tpu.memory_space<vmem>>, vector<1x50x64xf32>
    %get3A_275 = vector.shape_cast %get3A_274 : vector<1x50x64xf32> to vector<50x64xf32>
    %dot_general3A_276 = arith.constant dense<0.000000e+00> : vector<50x64xf32>
    %dot_general3A_277 = tpu.matmul %slice3A_270, %get3A_275, %dot_general3A_276 {dimension_numbers = #tpu.dot_dimension_numbers<[1], [0], [0], [1], [0, 0, 1, 1], [], []>, transpose_lhs_hint = false} : vector<50x50xf32>, vector<50x64xf32>, vector<50x64xf32> -> vector<50x64xf32>
    %slice3A_278 = vector.extract_strided_slice %select_n3A_238 {offsets = [250, 0], sizes = [50, 50], strides = [1, 1]} : vector<400x50xf32> to vector<50x50xf32>
    %get3A_279 = arith.constant 5 : index
    %get3A_280 = arith.constant 0 : index
    %get3A_281 = arith.constant 0 : index
    %get3A_282 = vector.load %arg1[%get3A_279, %get3A_280, %get3A_281] : memref<8x50x64xf32, #tpu.memory_space<vmem>>, vector<1x50x64xf32>
    %get3A_283 = vector.shape_cast %get3A_282 : vector<1x50x64xf32> to vector<50x64xf32>
    %dot_general3A_284 = arith.constant dense<0.000000e+00> : vector<50x64xf32>
    %dot_general3A_285 = tpu.matmul %slice3A_278, %get3A_283, %dot_general3A_284 {dimension_numbers = #tpu.dot_dimension_numbers<[1], [0], [0], [1], [0, 0, 1, 1], [], []>, transpose_lhs_hint = false} : vector<50x50xf32>, vector<50x64xf32>, vector<50x64xf32> -> vector<50x64xf32>
    %slice3A_286 = vector.extract_strided_slice %select_n3A_238 {offsets = [300, 0], sizes = [50, 50], strides = [1, 1]} : vector<400x50xf32> to vector<50x50xf32>
    %get3A_287 = arith.constant 6 : index
    %get3A_288 = arith.constant 0 : index
    %get3A_289 = arith.constant 0 : index
    %get3A_290 = vector.load %arg1[%get3A_287, %get3A_288, %get3A_289] : memref<8x50x64xf32, #tpu.memory_space<vmem>>, vector<1x50x64xf32>
    %get3A_291 = vector.shape_cast %get3A_290 : vector<1x50x64xf32> to vector<50x64xf32>
    %dot_general3A_292 = arith.constant dense<0.000000e+00> : vector<50x64xf32>
    %dot_general3A_293 = tpu.matmul %slice3A_286, %get3A_291, %dot_general3A_292 {dimension_numbers = #tpu.dot_dimension_numbers<[1], [0], [0], [1], [0, 0, 1, 1], [], []>, transpose_lhs_hint = false} : vector<50x50xf32>, vector<50x64xf32>, vector<50x64xf32> -> vector<50x64xf32>
    %slice3A_294 = vector.extract_strided_slice %select_n3A_238 {offsets = [350, 0], sizes = [50, 50], strides = [1, 1]} : vector<400x50xf32> to vector<50x50xf32>
    %get3A_295 = arith.constant 7 : index
    %get3A_296 = arith.constant 0 : index
    %get3A_297 = arith.constant 0 : index
    %get3A_298 = vector.load %arg1[%get3A_295, %get3A_296, %get3A_297] : memref<8x50x64xf32, #tpu.memory_space<vmem>>, vector<1x50x64xf32>
    %get3A_299 = vector.shape_cast %get3A_298 : vector<1x50x64xf32> to vector<50x64xf32>
    %dot_general3A_300 = arith.constant dense<0.000000e+00> : vector<50x64xf32>
    %dot_general3A_301 = tpu.matmul %slice3A_294, %get3A_299, %dot_general3A_300 {dimension_numbers = #tpu.dot_dimension_numbers<[1], [0], [0], [1], [0, 0, 1, 1], [], []>, transpose_lhs_hint = false} : vector<50x50xf32>, vector<50x64xf32>, vector<50x64xf32> -> vector<50x64xf32>
    %concatenate3A_302 = tpu.concatenate %dot_general3A_245, %dot_general3A_253, %dot_general3A_261, %dot_general3A_269, %dot_general3A_277, %dot_general3A_285, %dot_general3A_293, %dot_general3A_301 in 0 : vector<50x64xf32>, vector<50x64xf32>, vector<50x64xf32>, vector<50x64xf32>, vector<50x64xf32>, vector<50x64xf32>, vector<50x64xf32>, vector<50x64xf32> -> vector<400x64xf32>
    %get3A_303 = arith.constant 0 : index
    %get3A_304 = arith.constant 0 : index
    %get3A_305 = vector.load %arg5[%get3A_303, %get3A_304] : memref<64x64xf32, #tpu.memory_space<vmem>>, vector<64x64xf32>
    %dot_general3A_306 = arith.constant dense<0.000000e+00> : vector<400x64xf32>
    %dot_general3A_307 = tpu.matmul %concatenate3A_302, %get3A_305, %dot_general3A_306 {dimension_numbers = #tpu.dot_dimension_numbers<[1], [0], [0], [1], [0, 0, 1, 1], [], []>, transpose_lhs_hint = false} : vector<400x64xf32>, vector<64x64xf32>, vector<400x64xf32> -> vector<400x64xf32>
    %get3A_308 = arith.constant 0 : index
    %get3A_309 = arith.constant 0 : index
    %get3A_310 = vector.load %arg6[%get3A_308, %get3A_309] : memref<1x64xf32, #tpu.memory_space<vmem>>, vector<1x64xf32>
    %add3A_311 = vector.broadcast %get3A_310 : vector<1x64xf32> to vector<400x64xf32>
    %add3A_312 = arith.addf %dot_general3A_307, %add3A_311 : vector<400x64xf32>
    %max3A = arith.constant 0.000000e+00 : f32
    %max3A_313 = vector.broadcast %max3A : f32 to vector<400x64xf32>
    %max3A_314 = arith.maximumf %add3A_312, %max3A_313 : vector<400x64xf32>
    %get3A_315 = arith.constant 0 : index
    %get3A_316 = arith.constant 0 : index
    %get3A_317 = vector.load %arg7[%get3A_315, %get3A_316] : memref<64x64xf32, #tpu.memory_space<vmem>>, vector<64x64xf32>
    %dot_general3A_318 = arith.constant dense<0.000000e+00> : vector<400x64xf32>
    %dot_general3A_319 = tpu.matmul %max3A_314, %get3A_317, %dot_general3A_318 {dimension_numbers = #tpu.dot_dimension_numbers<[1], [0], [0], [1], [0, 0, 1, 1], [], []>, transpose_lhs_hint = false} : vector<400x64xf32>, vector<64x64xf32>, vector<400x64xf32> -> vector<400x64xf32>
    %get3A_320 = arith.constant 0 : index
    %get3A_321 = arith.constant 0 : index
    %get3A_322 = vector.load %arg8[%get3A_320, %get3A_321] : memref<1x64xf32, #tpu.memory_space<vmem>>, vector<1x64xf32>
    %add3A_323 = vector.broadcast %get3A_322 : vector<1x64xf32> to vector<400x64xf32>
    %add3A_324 = arith.addf %dot_general3A_319, %add3A_323 : vector<400x64xf32>
    %add3A_325 = arith.addf %concatenate3A_302, %add3A_324 : vector<400x64xf32>
    %get3A_326 = arith.constant 0 : index
    %get3A_327 = arith.constant 0 : index
    %get3A_328 = vector.load %arg9[%get3A_326, %get3A_327] : memref<64x128xf32, #tpu.memory_space<vmem>>, vector<64x128xf32>
    %dot_general3A_329 = arith.constant dense<0.000000e+00> : vector<400x128xf32>
    %dot_general3A_330 = tpu.matmul %add3A_325, %get3A_328, %dot_general3A_329 {dimension_numbers = #tpu.dot_dimension_numbers<[1], [0], [0], [1], [0, 0, 1, 1], [], []>, transpose_lhs_hint = false} : vector<400x64xf32>, vector<64x128xf32>, vector<400x128xf32> -> vector<400x128xf32>
    %get3A_331 = arith.constant 0 : index
    %get3A_332 = arith.constant 0 : index
    %get3A_333 = vector.load %arg10[%get3A_331, %get3A_332] : memref<1x128xf32, #tpu.memory_space<vmem>>, vector<1x128xf32>
    %add3A_334 = vector.broadcast %get3A_333 : vector<1x128xf32> to vector<400x128xf32>
    %add3A_335 = arith.addf %dot_general3A_330, %add3A_334 : vector<400x128xf32>
    %get3A_336 = arith.constant 0 : index
    %get3A_337 = arith.constant 0 : index
    %get3A_338 = vector.load %arg11[%get3A_336, %get3A_337] : memref<64x128xf32, #tpu.memory_space<vmem>>, vector<64x128xf32>
    %dot_general3A_339 = arith.constant dense<0.000000e+00> : vector<400x128xf32>
    %dot_general3A_340 = tpu.matmul %add3A_325, %get3A_338, %dot_general3A_339 {dimension_numbers = #tpu.dot_dimension_numbers<[1], [0], [0], [1], [0, 0, 1, 1], [], []>, transpose_lhs_hint = false} : vector<400x64xf32>, vector<64x128xf32>, vector<400x128xf32> -> vector<400x128xf32>
    %get3A_341 = arith.constant 0 : index
    %get3A_342 = arith.constant 0 : index
    %get3A_343 = vector.load %arg12[%get3A_341, %get3A_342] : memref<1x128xf32, #tpu.memory_space<vmem>>, vector<1x128xf32>
    %add3A_344 = vector.broadcast %get3A_343 : vector<1x128xf32> to vector<400x128xf32>
    %add3A_345 = arith.addf %dot_general3A_340, %add3A_344 : vector<400x128xf32>
    %max3A_346 = arith.constant 0.000000e+00 : f32
    %max3A_347 = vector.broadcast %max3A_346 : f32 to vector<400x128xf32>
    %max3A_348 = arith.maximumf %add3A_345, %max3A_347 : vector<400x128xf32>
    %mul3A_349 = arith.mulf %max3A_348, %add3A_335 : vector<400x128xf32>
    %get3A_350 = arith.constant 0 : index
    %get3A_351 = arith.constant 0 : index
    %get3A_352 = vector.load %arg13[%get3A_350, %get3A_351] : memref<128x64xf32, #tpu.memory_space<vmem>>, vector<128x64xf32>
    %dot_general3A_353 = arith.constant dense<0.000000e+00> : vector<400x64xf32>
    %dot_general3A_354 = tpu.matmul %mul3A_349, %get3A_352, %dot_general3A_353 {dimension_numbers = #tpu.dot_dimension_numbers<[1], [0], [0], [1], [0, 0, 1, 1], [], []>, transpose_lhs_hint = false} : vector<400x128xf32>, vector<128x64xf32>, vector<400x64xf32> -> vector<400x64xf32>
    %get3A_355 = arith.constant 0 : index
    %get3A_356 = arith.constant 0 : index
    %get3A_357 = vector.load %arg14[%get3A_355, %get3A_356] : memref<1x64xf32, #tpu.memory_space<vmem>>, vector<1x64xf32>
    %add3A_358 = vector.broadcast %get3A_357 : vector<1x64xf32> to vector<400x64xf32>
    %add3A_359 = arith.addf %dot_general3A_354, %add3A_358 : vector<400x64xf32>
    %max3A_360 = arith.constant 0.000000e+00 : f32
    %max3A_361 = vector.broadcast %max3A_360 : f32 to vector<400x64xf32>
    %max3A_362 = arith.maximumf %add3A_359, %max3A_361 : vector<400x64xf32>
    %add3A_363 = arith.addf %add3A_325, %max3A_362 : vector<400x64xf32>
    %reshape3A = vector.shape_cast %add3A_363 : vector<400x64xf32> to vector<8x50x64xf32>
    %swap3A = arith.constant 0 : index
    %swap3A_364 = arith.constant 0 : index
    %swap3A_365 = arith.constant 0 : index
    %swap3A_366 = vector.load %arg15[%swap3A, %swap3A_364, %swap3A_365] : memref<8x50x64xf32, #tpu.memory_space<vmem>>, vector<8x50x64xf32>
    tpu.vector_store %arg15[%swap3A, %swap3A_364, %swap3A_365], %reshape3A {strides = array<i32>} : memref<8x50x64xf32, #tpu.memory_space<vmem>>, vector<8x50x64xf32>,
    return
  }
  func.func @transform_0(%arg0: i32) -> (i32, i32, i32) {
    %c0_i32 = arith.constant 0 : i32
    %c0_i32_0 = arith.constant 0 : i32
    %c0_i32_1 = arith.constant 0 : i32
    return %arg0, %c0_i32, %c0_i32_0 : i32, i32, i32
  }
  func.func @transform_1(%arg0: i32) -> (i32, i32, i32) {
    %c0_i32 = arith.constant 0 : i32
    %c0_i32_0 = arith.constant 0 : i32
    %c0_i32_1 = arith.constant 0 : i32
    return %arg0, %c0_i32, %c0_i32_0 : i32, i32, i32
  }
  func.func @transform_2(%arg0: i32) -> (i32, i32) {
    %c0_i32 = arith.constant 0 : i32
    %c0_i32_0 = arith.constant 0 : i32
    return %arg0, %c0_i32 : i32, i32
  }
  func.func @transform_3(%arg0: i32) -> (i32, i32) {
    %c0_i32 = arith.constant 0 : i32
    %c0_i32_0 = arith.constant 0 : i32
    %c0_i32_1 = arith.constant 0 : i32
    return %c0_i32, %c0_i32_0 : i32, i32
  }
  func.func @transform_4(%arg0: i32) -> (i32, i32) {
    %c0_i32 = arith.constant 0 : i32
    %c0_i32_0 = arith.constant 0 : i32
    %c0_i32_1 = arith.constant 0 : i32
    return %c0_i32, %c0_i32_0 : i32, i32
  }
  func.func @transform_5(%arg0: i32) -> (i32, i32) {
    %c0_i32 = arith.constant 0 : i32
    %c0_i32_0 = arith.constant 0 : i32
    %c0_i32_1 = arith.constant 0 : i32
    return %c0_i32, %c0_i32_0 : i32, i32
  }
  func.func @transform_6(%arg0: i32) -> (i32, i32) {
    %c0_i32 = arith.constant 0 : i32
    %c0_i32_0 = arith.constant 0 : i32
    %c0_i32_1 = arith.constant 0 : i32
    return %c0_i32, %c0_i32_0 : i32, i32
  }
  func.func @transform_7(%arg0: i32) -> (i32, i32) {
    %c0_i32 = arith.constant 0 : i32
    %c0_i32_0 = arith.constant 0 : i32
    %c0_i32_1 = arith.constant 0 : i32
    return %c0_i32, %c0_i32_0 : i32, i32
  }
  func.func @transform_8(%arg0: i32) -> (i32, i32) {
    %c0_i32 = arith.constant 0 : i32
    %c0_i32_0 = arith.constant 0 : i32
    %c0_i32_1 = arith.constant 0 : i32
    return %c0_i32, %c0_i32_0 : i32, i32
  }
  func.func @transform_9(%arg0: i32) -> (i32, i32) {
    %c0_i32 = arith.constant 0 : i32
    %c0_i32_0 = arith.constant 0 : i32
    %c0_i32_1 = arith.constant 0 : i32
    return %c0_i32, %c0_i32_0 : i32, i32
  }
  func.func @transform_10(%arg0: i32) -> (i32, i32) {
    %c0_i32 = arith.constant 0 : i32
    %c0_i32_0 = arith.constant 0 : i32
    %c0_i32_1 = arith.constant 0 : i32
    return %c0_i32, %c0_i32_0 : i32, i32
  }
  func.func @transform_11(%arg0: i32) -> (i32, i32) {
    %c0_i32 = arith.constant 0 : i32
    %c0_i32_0 = arith.constant 0 : i32
    %c0_i32_1 = arith.constant 0 : i32
    return %c0_i32, %c0_i32_0 : i32, i32
  }
  func.func @transform_12(%arg0: i32) -> (i32, i32) {
    %c0_i32 = arith.constant 0 : i32
    %c0_i32_0 = arith.constant 0 : i32
    %c0_i32_1 = arith.constant 0 : i32
    return %c0_i32, %c0_i32_0 : i32, i32
  }
  func.func @transform_13(%arg0: i32) -> (i32, i32) {
    %c0_i32 = arith.constant 0 : i32
    %c0_i32_0 = arith.constant 0 : i32
    %c0_i32_1 = arith.constant 0 : i32
    return %c0_i32, %c0_i32_0 : i32, i32
  }
  func.func @transform_14(%arg0: i32) -> (i32, i32, i32) {
    %c0_i32 = arith.constant 0 : i32
    %c0_i32_0 = arith.constant 0 : i32
    %c0_i32_1 = arith.constant 0 : i32
    return %arg0, %c0_i32, %c0_i32_0 : i32, i32, i32
  }
}

</mosaic_0001>

<sc_bundles>
// kernel: kernel.7.cloned.1.call-start
scs
__scs_entry_jumppad:
0x0: {  	(pc) =	sbr.rel $0x88, $3  }
0x1: {  	(tag) =	ssettag $0x0;
	lr =	simm.s32 $0x1  }
0x2: {  	[smem:$0x3F8C] =	sst lr;
	_ =	strace $0xD0000000  }
0x3: {  	_ = 	snop  }
0x4: {  	_ = 	snop  }
0x5: {  	_ = 	snop  }
0x6: {  	_ = 	snop  }
0x7: {  	_ = 	snop  }
__scs_overlays_trampoline_lowered:
0x8: {  	[smem:$0x3F9B] =	sst s0  }
0x9: {  	[smem:$0x3F9C] =	sst s1  }
0xa: {  	[smem:$0x3F9D] =	sst s2  }
0xb: {  	[smem:$0x3F9E] =	sst s3  }
0xc: {  	[smem:$0x3F9F] =	sst s4  }
0xd: {  	[smem:$0x3FA0] =	sst s5  }
0xe: {  	[smem:$0x3FA1] =	sst s6  }
0xf: {  	[smem:$0x3FA2] =	sst s7  }
0x10: {  	[smem:$0x3FA3] =	sst s8  }
0x11: {  	[smem:$0x3FA4] =	sst s9;
	s0 =	simm.s32 @!p0 $0x0  }
0x12: {  	s1 =	sld [smem:$0x3F8A];
	s0 =	simm.s32 @p0 $0x1  }
0x13: {  	[smem:$0x3FA5] =	sst s0;
	s0 =	simm.s32 @!p1 $0x0  }
0x14: {  	s2 =	sld [smem:$0x3F89];
	s0 =	simm.s32 @p1 $0x1  }
0x15: {  	[smem:$0x3FA6] =	sst s0;
	s0 =	simm.s32 @!p2 $0x0  }
0x16: {  	s3 =	sld [smem:$0x3FDB];
	s0 =	simm.s32 @p2 $0x1  }
0x17: {  	s4 =	simm.s32 $0x1BF5;
	[smem:$0x3FA8] =	sst s0  }
0x18: {  	s0 =	sld [smem:$0x3F8B];
	_ =	swait.ge [sflag:s4], $0x0  }
0x19: {  	s7 =	sld [smem:$0x3F8C]  }
0x1a: {  	s8 =	sadd.s32 $0xFFFFE003, lr  }
0x1b: {  	s9 =	sadd.s32 $0xFFFFFEF7, lr;
	s5 =	simm.s32 $0xFFFFFFFF;
	p2 =	slt.u32 s8, $0xFFFFF086  }
0x1c: {  	p1 =	slt.u32 s9, $0xF7A;
	s5 =	simm.s32 @!p2 $0x0  }
0x1d: {  	s5 =	simm.s32 @p1 $0x1;
	p0 =	seq.s32 s7, s2  }
0x1e: {  	s7 =	smul.u32 @!p0 $0xF7A, s2;
	p2 =	seq.s32 @!p0 s5, $0x0  }
0x1f: {  	s9 =	smul.u32 $0xF7A, s1;
	s8 =	simm.s32 @!p0 $0x1BF5;
	p2 =	por !p2, p0  }
0x20: {  	[sflag:s8] =	ssyncset.s32 @!p0 $0xFFFFF086;
	s6 =	sadd.s32 @!p0 s3, s7;
	s7 =	simm.s32 @!p0 $0x108  }
0x21: {  	s3 =	sadd.s32 s3, s9;
	s6 =	sadd.s32 @!p0 $0x88, s6;
	s7 =	simm.s32 @p2 $0x1082  }
0x22: {  	[simem:s7], [sflag:s8] =	dma.local @!p0 [hbm:s6], $0xF7A  }
0x23: {  	s9 =	sor.u32 $0xD0000000, s2;
	s6 =	simm.s32 $0x108;
	_ =	swait.ge @!p0 [sflag:s8], $0x0  }
0x24: {  	s3 =	sadd.s32 $0x88, s3;
	s6 =	simm.s32 @!p1 $0x1082;
	[sflag:s4] =	ssyncset.s32 $0xFFFFF086  }
0x25: {  	[simem:s6], [sflag:s4] =	dma.local [hbm:s3], $0xF7A  }
0x26: {  	[smem:$0x3F8C] =	sst s1;
	(tag) =	ssettag s2;
	_ =	strace s9  }
0x27: {  	s1 =	sld [smem:$0x3F9C]  }
0x28: {  	s2 =	sld [smem:$0x3F9D]  }
0x29: {  	s4 =	sld [smem:$0x3F9F]  }
0x2a: {  	p0 =	seq.s32 s5, $0x0;
	s5 =	sld [smem:$0x3FA0]  }
0x2b: {  	s6 =	sld [smem:$0x3FA1]  }
0x2c: {  	s7 =	sld [smem:$0x3FA2]  }
0x2d: {  	s3 =	simm.s32 $0x108;
	s8 =	sld [smem:$0x3FA3]  }
0x2e: {  	s3 =	simm.s32 @!p0 $0x1082;
	s9 =	sld [smem:$0x3FA4]  }
0x2f: {  	lr =	sadd.s32 s0, s3;
	s0 =	sld [smem:$0x3F9B]  }
0x30: {  	s3 =	sld [smem:$0x3F9E]  }
0x31: {  	[smem:$0x3FA7] =	sst s10  }
0x32: {  	s10 =	sld [smem:$0x3FA5];
	_ =	sdelay $0x3  }
0x33: {  	p0 =	seq.s32 s10, $0x1;
	s10 =	sld [smem:$0x3FA7];
	_ =	sdelay $0x3  }
0x34: {  	[smem:$0x3FA7] =	sst s10  }
0x35: {  	s10 =	sld [smem:$0x3FA6];
	_ =	sdelay $0x3  }
0x36: {  	p1 =	seq.s32 s10, $0x1;
	s10 =	sld [smem:$0x3FA7];
	_ =	sdelay $0x3  }
0x37: {  	[smem:$0x3FA7] =	sst s10  }
0x38: {  	s10 =	sld [smem:$0x3FA8]  }
0x39: {  	_ = 	snop;
	(pc) =	sbr.ind lr, $3  }
0x3a: {  	_ = 	snop  }
0x3b: {  	_ = 	snop  }
0x3c: {  	p2 =	seq.s32 s10, $0x1;
	s10 =	sld [smem:$0x3FA7]  }
0x3d: {  	_ =	shalt  }
0x3e: {  	_ =	shalt  }
0x3f: {  	_ =	shalt  }
0x40: {  	_ =	shalt  }
0x41: {  	_ =	shalt  }
0x42: {  	_ =	shalt  }
0x43: {  	_ =	shalt  }
0x44: {  	_ =	shalt  }
0x45: {  	_ =	shalt  }
0x46: {  	_ =	shalt  }
0x47: {  	_ =	shalt  }
0x48: {  	_ =	shalt  }
0x49: {  	_ =	shalt  }
0x4a: {  	_ =	shalt  }
0x4b: {  	_ =	shalt  }
0x4c: {  	_ =	shalt  }
0x4d: {  	_ =	shalt  }
0x4e: {  	_ =	shalt  }
0x4f: {  	_ =	shalt  }
0x50: {  	_ =	shalt  }
0x51: {  	_ =	shalt  }
0x52: {  	_ =	shalt  }
0x53: {  	_ =	shalt  }
0x54: {  	_ =	shalt  }
0x55: {  	_ =	shalt  }
0x56: {  	_ =	shalt  }
0x57: {  	_ =	shalt  }
0x58: {  	_ =	shalt  }
0x59: {  	_ =	shalt  }
0x5a: {  	_ =	shalt  }
0x5b: {  	_ =	shalt  }
0x5c: {  	_ =	shalt  }
0x5d: {  	_ =	shalt  }
0x5e: {  	_ =	shalt  }
0x5f: {  	_ =	shalt  }
0x60: {  	_ =	shalt  }
0x61: {  	_ =	shalt  }
0x62: {  	_ =	shalt  }
0x63: {  	_ =	shalt  }
0x64: {  	_ =	shalt  }
0x65: {  	_ =	shalt  }
0x66: {  	_ =	shalt  }
0x67: {  	_ =	shalt  }
0x68: {  	_ =	shalt  }
0x69: {  	_ =	shalt  }
0x6a: {  	_ =	shalt  }
0x6b: {  	_ =	shalt  }
0x6c: {  	_ =	shalt  }
0x6d: {  	_ =	shalt  }
0x6e: {  	_ =	shalt  }
0x6f: {  	_ =	shalt  }
0x70: {  	_ =	shalt  }
0x71: {  	_ =	shalt  }
0x72: {  	_ =	shalt  }
0x73: {  	_ =	shalt  }
0x74: {  	_ =	shalt  }
0x75: {  	_ =	shalt  }
0x76: {  	_ =	shalt  }
0x77: {  	_ =	shalt  }
0x78: {  	_ =	shalt  }
0x79: {  	_ =	shalt  }
0x7a: {  	_ =	shalt  }
0x7b: {  	_ =	shalt  }
0x7c: {  	_ =	shalt  }
0x7d: {  	_ =	shalt  }
0x7e: {  	_ =	shalt  }
0x7f: {  	_ =	shalt  }
0x80: {  	_ =	shalt  }
0x81: {  	_ =	shalt  }
0x82: {  	_ =	shalt  }
0x83: {  	_ =	shalt  }
0x84: {  	_ =	shalt  }
0x85: {  	_ =	shalt  }
0x86: {  	_ =	shalt  }
0x87: {  	_ =	shalt  }
.Lfunc_end0:
.L_simem_size_0:
called_computation_lowered:
.L_overlay_start_0:
0x88: {  	s2 =	sld [smem:$0x3FD9]  }
0x89: {  	s3 =	sld [smem:$0x3FFE];
	_ =	sdelay $0x1  }
0x8a: {  	s1 =	srdreg.scid  }
0x8b: {  	s0 =	sand.u32 $0x1, s1  }
0x8c: {  	s17 =	sshll.u32 s0, $0xA;
	s2 =	sadd.s32 s3, s2  }
0x8d: {  	s2 =	sadd.s32 s2, s17  }
0x8e: {  	[smem:$0x3FB3] =	sst s2  }
0x8f: {  	_ = 	snop  }
0x90: {  	s2 =	sld [smem:$0x3FD0];
	(tm) =	ssettm $0x1  }
0x91: {  	s18 =	sld [smem:$0x3FFB];
	_ =	sdelay $0x3  }
0x92: {  	_ =	strace s18  }
0x93: {  	s3 =	sld [smem:$0x3FFC];
	_ =	sdelay $0x3  }
0x94: {  	_ =	strace s3  }
0x95: {  	s3 =	sld [smem:$0x3FFD];
	_ =	sdelay $0x3  }
0x96: {  	_ =	strace s3  }
0x97: {  	_ =	strace $0x8FFFFFFF  }
0x98: {  	s19 =	sld [smem:$0x3FDB];
	_ =	sdelay $0x1  }
0x99: {  	s4 =	simm.s32 $_scs_section_size  }
0x9a: {  	s5 =	simm.s32 $_size__tile_overlayer_lowered;
	s6 =	simm.s32 $_tile_overlayer_lowered  }
0x9b: {  	s22 =	simm.s32 $0x1BFF;
	s21 =	sshll.u32 s6, $0x1;
	s3 =	sadd.s32 s4, s19  }
0x9c: {  	s7 =	simm.s32 $0x0;
	s20 =	sshll.u32 s5, $0x1;
	s5 =	sadd.s32 s21, s3  }
0x9d: {  	[timem:s7], [sflag:s22] =	dma.local [hbm:s5], s20  }
0x9e: {  	_ =	swait.ge [sflag:s22], s20  }
0x9f: {  	s4 =	ssub.s32 $0x0, s20;
	[sflag:s22] =	ssyncset.done $0x0  }
0xa0: {  	[sflag:s22] =	ssyncadd.s32 s4;
	_ =	sdelay $0x1  }
0xa1: {  	s23 =	simm.s32 $0x1B8B  }
0xa2: {  	_ =	swait.ge [sflag:s23], $0x1  }
0xa3: {  	[sflag:s23] =	ssyncset.done $0x0  }
0xa4: {  	s25 =	simm.s32 $0x1B8E;
	s24 =	sld [smem:$0x3FFE];
	[sflag:s23] =	ssyncadd.s32 $0xFFFFFFFF  }
0xa5: {  	s26 =	simm.s32 $execute0_lowered;
	[smem:$0x3FD2] =	sst s25  }
0xa6: {  	s5 =	sshll.u32 s26, $0x1;
	_ =	strace $0x80000046;
	[dreg:$0x1] =	wrdreg $0xFFFFFFFF  }
0xa7: {  	s28 =	simm.s32 $_size_execute0_lowered;
	s3 =	sadd.s32 s3, s5;
	[dreg:$0x0] =	wrdreg $0x0  }
0xa8: {  	s5 =	sshll.u32 s28, $0x1;
	[dreg:$0x2] =	wrdreg s3  }
0xa9: {  	[dreg:$0x3] =	wrdreg s5  }
0xaa: {  	[dreg:$0x4] =	wrdreg $0xC0  }
0xab: {  	_ =	task [dreg:s7], $0x5FFFF  }
0xac: {  	[dreg:$0x1] =	wrdreg $0xFFFFFFFF  }
0xad: {  	[dreg:$0x0] =	wrdreg $0x60  }
0xae: {  	[dreg:$0x2] =	wrdreg s2  }
0xaf: {  	[dreg:$0x3] =	wrdreg s24  }
0xb0: {  	[dreg:$0x4] =	wrdreg $0x9  }
0xb1: {  	_ =	task.clear_ibuf [dreg:s7], $0x5FFFF;
	_ =	strace $0x90000046  }
0xb2: {  	s29 =	simm.s32 $0x9;
	_ =	strace $0x80000048  }
0xb3: {  	_ =	swait.ge [sflag:s29], $0x1  }
0xb4: {  	[sflag:s29] =	ssyncadd.s32 $0xFFFFFFFF  }
0xb5: {  	_ =	strace $0x90000048  }
0xb6: {  	_ =	sfence  }
0xb7: {  	s30 =	sld [smem:$0x0];
	_ =	sdelay $0x2  }
0xb8: {  	s31 =	sshll.u32 s1, $0xD;
	s1 =	sshrl.u32 s1, $0x2  }
0xb9: {  	s3 =	sand.u32 $0x4000, s31;
	s1 =	sadd.s32 s1, s30  }
0xba: {  	s0 =	sor.u32 s3, s0;
	s1 =	sshll.u32 s1, $0x11  }
0xbb: {  	s0 =	sor.u32 s1, s0  }
0xbc: {  	s0 =	sadd.s32 $0x8F2B, s0  }
0xbd: {  	[sflag:s0] =	ssyncadd.remote.s32 $0x1  }
0xbe: {  	_ =	sfence.sel $0xFFFF  }
0xbf: {  	[dreg:$0x0] =	wrdreg $0xFFFFFFFF;
	(pc) =	sbr.abs _section_cstart, $3  }
0xc0: {  	[dreg:$0x1] =	wrdreg $0xFFFFFFFF  }
0xc1: {  	_ =	task.clear_ibuf [dreg:s7], $0x2FFFF;
	_ =	strace $0x9FFFFFFF  }
0xc2: {  	(tm) =	ssettm $0x7FFFFFFF  }
0xc3: {  	_ =	shalt  }
tec
execute0_lowered:
.L_overlay_start_1:
0x0: {  	(tag) =	ssettag $0x1  }
0x1: {  	s1 =	srdreg.scid;
	s0 =	stileid.u32  }
0x2: {  	s2 =	rddreg [dreg:$0x0];
	s19 =	sand.u32 $0x1, s1;
	s30 =	sshll.u32 s0, $0x1  }
0x3: {  	s18 =	rddreg [dreg:$0x1];
	s17 =	sor.u32 s19, s30  }
0x4: {  	s3 =	simm.s32 $0x0;
	s1 =	rddreg [dreg:$0x2];
	s4 =	sshll.u32 s17, $0x7  }
0x5: {  	[smem:$0x7FF] =	sst s3;
	s4 =	sadd.s32 s4, s18  }
0x6: {  	_ =	strace $0x80000047;
	s5 =	sadd.s32 $0x3800, s4;
	s4 =	simm.s32 $0x2  }
0x7: {  	[tilespmem:s3], [sflag:$0x2] =	stream.linear.gather [hbm4b:s5+s3], $0x280, $0x38;
	[tilespmem:$0xCC00] =	vst v63  }
0x8: {  	_ =	swait.ge [sflag:s4], $0x280  }
0x9: {  	[sflag:s4] =	ssyncset.done $0x0  }
0xa: {  	s6 =	simm.s32 $0x50;
	s7 =	simm.s32 $0x400;
	[sflag:s4] =	ssyncadd.s32 $0xFFFFFD80  }
0xb: {  	[tilespmem:s7], [sflag:$0x1] =	stream.indirect.gather [hbm4b:s2+s6], $0x80, s3, s6, $0xb8;
	[tilespmem:$0xCC00] =	vst v63  }
0xc: {  	s8 =	simm.s32 $0x80;
	s9 =	simm.s32 $0x2C00  }
0xd: {  	[tilespmem:s9], [sflag:$0x1] =	stream.indirect.gather [hbm4b:s2+s6], $0x80, s8, s6, $0xb8;
	[tilespmem:$0xCC00] =	vst v63  }
0xe: {  	s10 =	simm.s32 $0x100;
	s11 =	simm.s32 $0x5400  }
0xf: {  	[tilespmem:s11], [sflag:$0x1] =	stream.indirect.gather [hbm4b:s2+s6], $0x80, s10, s6, $0xb8;
	[tilespmem:$0xCC00] =	vst v63  }
0x10: {  	s12 =	simm.s32 $0x180;
	s13 =	simm.s32 $0x7C00  }
0x11: {  	[tilespmem:s13], [sflag:$0x1] =	stream.indirect.gather [hbm4b:s2+s6], $0x80, s12, s6, $0xb8;
	[tilespmem:$0xCC00] =	vst v63  }
0x12: {  	s14 =	simm.s32 $0x200;
	s15 =	simm.s32 $0xA400;
	s16 =	simm.s32 $0x1  }
0x13: {  	[tilespmem:s15], [sflag:$0x1] =	stream.indirect.gather [hbm4b:s2+s6], $0x80, s14, s6, $0xb8;
	[tilespmem:$0xCC00] =	vst v63  }
0x14: {  	_ =	swait.ge [sflag:s16], $0x2800  }
0x15: {  	[sflag:s16] =	ssyncset.done $0x0  }
0x16: {  	[sflag:s16] =	ssyncadd.s32 $0xFFFFD800  }
0x17: {  	_ =	swait.ge [sflag:s16], $0x2800  }
0x18: {  	[sflag:s16] =	ssyncset.done $0x0  }
0x19: {  	[sflag:s16] =	ssyncadd.s32 $0xFFFFD800  }
0x1a: {  	_ =	swait.ge [sflag:s16], $0x2800  }
0x1b: {  	[sflag:s16] =	ssyncset.done $0x0  }
0x1c: {  	[sflag:s16] =	ssyncadd.s32 $0xFFFFD800  }
0x1d: {  	_ =	swait.ge [sflag:s16], $0x2800  }
0x1e: {  	[sflag:s16] =	ssyncset.done $0x0  }
0x1f: {  	s17 =	smul.u32 $0x1900, s17;
	[sflag:s16] =	ssyncadd.s32 $0xFFFFD800  }
0x20: {  	_ =	swait.ge [sflag:s16], $0x2800  }
0x21: {  	s20 =	sadd.s32 s17, s18;
	[sflag:s16] =	ssyncset.done $0x0  }
0x22: {  	s17 =	sadd.s32 $0x18200, s20;
	[sflag:s16] =	ssyncadd.s32 $0xFFFFD800  }
0x23: {  	[hbm4b:s17+s3] =	stream.linear.scatter [tilespmem:s7], [sflag:$0x2], $0xC800, $0x38;
	[tilespmem:$0xCC00] =	vst v63  }
0x24: {  	_ =	swait.ge [sflag:s4], $0xC800  }
0x25: {  	[sflag:s4] =	ssyncset.done $0x0  }
0x26: {  	s18 =	sadd.s32 $0x4800, s18;
	[sflag:s4] =	ssyncadd.s32 $0xFFFF3800  }
0x27: {  	[tilespmem:s7], [sflag:$0x1] =	stream.indirect.gather [hbm4b:s18+s6], $0x80, s3, s6, $0xb8;
	[tilespmem:$0xCC00] =	vst v63  }
0x28: {  	_ = 	snop  }
0x29: {  	[tilespmem:s9], [sflag:$0x1] =	stream.indirect.gather [hbm4b:s18+s6], $0x80, s8, s6, $0xb8;
	[tilespmem:$0xCC00] =	vst v63  }
0x2a: {  	_ = 	snop  }
0x2b: {  	[tilespmem:s11], [sflag:$0x1] =	stream.indirect.gather [hbm4b:s18+s6], $0x80, s10, s6, $0xb8;
	[tilespmem:$0xCC00] =	vst v63  }
0x2c: {  	_ = 	snop  }
0x2d: {  	[tilespmem:s13], [sflag:$0x1] =	stream.indirect.gather [hbm4b:s18+s6], $0x80, s12, s6, $0xb8;
	[tilespmem:$0xCC00] =	vst v63  }
0x2e: {  	_ = 	snop  }
0x2f: {  	[tilespmem:s15], [sflag:$0x1] =	stream.indirect.gather [hbm4b:s18+s6], $0x80, s14, s6, $0xb8;
	[tilespmem:$0xCC00] =	vst v63  }
0x30: {  	_ =	swait.ge [sflag:s16], $0x2800  }
0x31: {  	[sflag:s16] =	ssyncset.done $0x0  }
0x32: {  	[sflag:s16] =	ssyncadd.s32 $0xFFFFD800  }
0x33: {  	_ =	swait.ge [sflag:s16], $0x2800  }
0x34: {  	[sflag:s16] =	ssyncset.done $0x0  }
0x35: {  	[sflag:s16] =	ssyncadd.s32 $0xFFFFD800  }
0x36: {  	_ =	swait.ge [sflag:s16], $0x2800  }
0x37: {  	[sflag:s16] =	ssyncset.done $0x0  }
0x38: {  	s19 =	ssub.s32 $0x2, s19;
	[sflag:s16] =	ssyncadd.s32 $0xFFFFD800  }
0x39: {  	s21 =	sshrl.u32 s19, $0x1;
	_ =	swait.ge [sflag:s16], $0x2800  }
0x3a: {  	s21 =	ssub.s32 s19, s21;
	[sflag:s16] =	ssyncset.done $0x0  }
0x3b: {  	s31 =	smax.u32 s21, $0x1;
	[sflag:s16] =	ssyncadd.s32 $0xFFFFD800  }
0x3c: {  	p0 =	sne.s32 s31, $0x1;
	_ =	swait.ge [sflag:s16], $0x2800  }
.Ltmp0:
0x3d: {  	[sflag:s16] =	ssyncset.done $0x0;
	(pc) =	sbr.rel @!p0 .LBB2_2-.Ltmp0, $4  }
0x3e: {  	s19 =	sadd.s32 $0x4A200, s20;
	[sflag:s16] =	ssyncadd.s32 $0xFFFFD800  }
0x3f: {  	[hbm4b:s19+s3] =	stream.linear.scatter [tilespmem:s7], [sflag:$0x2], $0xC800, $0x38;
	[tilespmem:$0xCC00] =	vst v63  }
0x40: {  	_ =	swait.ge [sflag:s4], $0xC800  }
0x41: {  	s20 =	sadd.s32 $0xFFFFFFFF, s31;
	[sflag:s4] =	ssyncset.done $0x0  }
.LBB2_1:
0x42: {  	p0 =	sne.s32 s20, $0x1;
	s20 =	sadd.s32 $0xFFFFFFFF, s20;
	[sflag:s4] =	ssyncadd.s32 $0xFFFF3800  }
0x43: {  	[tilespmem:s3], [sflag:$0x2] =	stream.linear.gather [hbm4b:s5+s3], $0x280, $0x38;
	[tilespmem:$0xCC00] =	vst v63  }
0x44: {  	_ =	swait.ge [sflag:s4], $0x280  }
0x45: {  	[sflag:s4] =	ssyncset.done $0x0  }
0x46: {  	[sflag:s4] =	ssyncadd.s32 $0xFFFFFD80  }
0x47: {  	[tilespmem:s7], [sflag:$0x1] =	stream.indirect.gather [hbm4b:s2+s6], $0x80, s3, s6, $0xb8;
	[tilespmem:$0xCC00] =	vst v63  }
0x48: {  	_ = 	snop  }
0x49: {  	[tilespmem:s9], [sflag:$0x1] =	stream.indirect.gather [hbm4b:s2+s6], $0x80, s8, s6, $0xb8;
	[tilespmem:$0xCC00] =	vst v63  }
0x4a: {  	_ = 	snop  }
0x4b: {  	[tilespmem:s11], [sflag:$0x1] =	stream.indirect.gather [hbm4b:s2+s6], $0x80, s10, s6, $0xb8;
	[tilespmem:$0xCC00] =	vst v63  }
0x4c: {  	_ = 	snop  }
0x4d: {  	[tilespmem:s13], [sflag:$0x1] =	stream.indirect.gather [hbm4b:s2+s6], $0x80, s12, s6, $0xb8;
	[tilespmem:$0xCC00] =	vst v63  }
0x4e: {  	_ = 	snop  }
0x4f: {  	[tilespmem:s15], [sflag:$0x1] =	stream.indirect.gather [hbm4b:s2+s6], $0x80, s14, s6, $0xb8;
	[tilespmem:$0xCC00] =	vst v63  }
0x50: {  	_ =	swait.ge [sflag:s16], $0x2800  }
0x51: {  	[sflag:s16] =	ssyncset.done $0x0  }
0x52: {  	[sflag:s16] =	ssyncadd.s32 $0xFFFFD800  }
0x53: {  	_ =	swait.ge [sflag:s16], $0x2800  }
0x54: {  	[sflag:s16] =	ssyncset.done $0x0  }
0x55: {  	[sflag:s16] =	ssyncadd.s32 $0xFFFFD800  }
0x56: {  	_ =	swait.ge [sflag:s16], $0x2800  }
0x57: {  	[sflag:s16] =	ssyncset.done $0x0  }
0x58: {  	[sflag:s16] =	ssyncadd.s32 $0xFFFFD800  }
0x59: {  	_ =	swait.ge [sflag:s16], $0x2800  }
0x5a: {  	[sflag:s16] =	ssyncset.done $0x0  }
0x5b: {  	[sflag:s16] =	ssyncadd.s32 $0xFFFFD800  }
0x5c: {  	_ =	swait.ge [sflag:s16], $0x2800  }
0x5d: {  	[sflag:s16] =	ssyncset.done $0x0  }
0x5e: {  	[sflag:s16] =	ssyncadd.s32 $0xFFFFD800  }
0x5f: {  	[hbm4b:s17+s3] =	stream.linear.scatter [tilespmem:s7], [sflag:$0x2], $0xC800, $0x38;
	[tilespmem:$0xCC00] =	vst v63  }
0x60: {  	_ =	swait.ge [sflag:s4], $0xC800  }
0x61: {  	[sflag:s4] =	ssyncset.done $0x0  }
0x62: {  	[sflag:s4] =	ssyncadd.s32 $0xFFFF3800  }
0x63: {  	[tilespmem:s7], [sflag:$0x1] =	stream.indirect.gather [hbm4b:s18+s6], $0x80, s3, s6, $0xb8;
	[tilespmem:$0xCC00] =	vst v63  }
0x64: {  	_ = 	snop  }
0x65: {  	[tilespmem:s9], [sflag:$0x1] =	stream.indirect.gather [hbm4b:s18+s6], $0x80, s8, s6, $0xb8;
	[tilespmem:$0xCC00] =	vst v63  }
0x66: {  	_ = 	snop  }
0x67: {  	[tilespmem:s11], [sflag:$0x1] =	stream.indirect.gather [hbm4b:s18+s6], $0x80, s10, s6, $0xb8;
	[tilespmem:$0xCC00] =	vst v63  }
0x68: {  	_ = 	snop  }
0x69: {  	[tilespmem:s13], [sflag:$0x1] =	stream.indirect.gather [hbm4b:s18+s6], $0x80, s12, s6, $0xb8;
	[tilespmem:$0xCC00] =	vst v63  }
0x6a: {  	_ = 	snop  }
0x6b: {  	[tilespmem:s15], [sflag:$0x1] =	stream.indirect.gather [hbm4b:s18+s6], $0x80, s14, s6, $0xb8;
	[tilespmem:$0xCC00] =	vst v63  }
0x6c: {  	_ =	swait.ge [sflag:s16], $0x2800  }
0x6d: {  	[sflag:s16] =	ssyncset.done $0x0  }
0x6e: {  	[sflag:s16] =	ssyncadd.s32 $0xFFFFD800  }
0x6f: {  	_ =	swait.ge [sflag:s16], $0x2800  }
0x70: {  	[sflag:s16] =	ssyncset.done $0x0  }
0x71: {  	[sflag:s16] =	ssyncadd.s32 $0xFFFFD800  }
0x72: {  	_ =	swait.ge [sflag:s16], $0x2800  }
0x73: {  	[sflag:s16] =	ssyncset.done $0x0  }
0x74: {  	[sflag:s16] =	ssyncadd.s32 $0xFFFFD800  }
0x75: {  	_ =	swait.ge [sflag:s16], $0x2800  }
0x76: {  	[sflag:s16] =	ssyncset.done $0x0  }
0x77: {  	[sflag:s16] =	ssyncadd.s32 $0xFFFFD800  }
0x78: {  	_ =	swait.ge [sflag:s16], $0x2800  }
.Ltmp1:
0x79: {  	[sflag:s16] =	ssyncset.done $0x0;
	(pc) =	sbr.rel @p0 .LBB2_1-.Ltmp1, $4  }
0x7a: {  	[sflag:s16] =	ssyncadd.s32 $0xFFFFD800  }
0x7b: {  	[hbm4b:s19+s3] =	stream.linear.scatter [tilespmem:s7], [sflag:$0x2], $0xC800, $0x38;
	[tilespmem:$0xCC00] =	vst v63  }
0x7c: {  	_ =	swait.ge [sflag:s4], $0xC800  }
0x7d: {  	[sflag:s4] =	ssyncset.done $0x0  }
.LBB2_2:
0x7e: {  	[sflag:s4] =	ssyncadd.s32 $0xFFFF3800  }
0x7f: {  	_ =	sfence.sel $0x180000  }
0x80: {  	[bflag:$0x0] =	sbarrier.arrive $0xFFFF  }
0x81: {  	p0 =	sne.s32 s0, $0x0;
	_ =	strace $0x90000047  }
0x82: {  	s0 =	sadd.s32 @!p0 $0x100000, s1;
	[bflag:$0x2] =	sbarrier.arrive $0xFFFF  }
0x83: {  	[sflag:s0] =	ssyncadd.tile.s32 @!p0 $0x1;
	_ =	shalt  }
.Lfunc_end2:
_tile_overlayer_lowered:
.L_overlay_start_2:
0x84: {  	(tag) =	ssettag $0x2  }
0x85: {  	s0 =	rddreg [dreg:$0x0];
	s2 =	stileid.u32  }
0x86: {  	s1 =	rddreg [dreg:$0x1];
	p0 =	sne.s32 s2, $0x0  }
0x87: {  	s3 =	rddreg [dreg:$0x2];
	[bflag:$0x3] =	sbarrier.arrive $0xFFFF;
	s2 =	simm.s32 @!p0 $0x1C02  }
0x88: {  	[timem:s3], [sflag:s2] =	dma.local @!p0 [hbm:s0], s1  }
0x89: {  	s0 =	simm.s32 @!p0 $0x2  }
0x8a: {  	_ =	swait.ge @!p0 [sflag:s0], s1  }
0x8b: {  	s1 =	ssub.s32 @!p0 $0x0, s1;
	[sflag:s0] =	ssyncset.done @!p0 $0x0  }
0x8c: {  	[sflag:s0] =	ssyncadd.s32 @!p0 s1  }
0x8d: {  	[bflag:$0x3] =	sbarrier.arrive $0xFFFF  }
0x8e: {  	_ =	shalt  }

</sc_bundles>
